<compile_context>
chip_gen: v7x
topology: tpu7x:2x2x1
jax: 0.10.2.dev20260603
libtpu: 0.0.44.dev20260713+nightly
codegen_flags: <defaults>
</compile_context>

<pallas_src>
import functools

import jax
import jax.numpy as jnp
from jax import lax
from jax.experimental import pallas as pl
from jax.experimental.pallas import tpu as pltpu
from jax.experimental.pallas import tpu_sc as plsc

_B = 16384
_D = 32
_NC = 2
_NS = 16
_NW = _NC * _NS
_BPW = _B // _NW
_V = 16

_mesh = plsc.VectorSubcoreMesh(core_axis_name="c", subcore_axis_name="s")


@functools.partial(
    pl.kernel,
    mesh=_mesh,
    out_type=jax.ShapeDtypeStruct((_B * _D,), jnp.float32),
    scratch_types=[
        pltpu.VMEM((_BPW,), jnp.int32),
        pltpu.VMEM((_BPW * _D,), jnp.int32),
        pltpu.VMEM((_BPW * _D,), jnp.float32),
        pltpu.SemaphoreType.DMA,
        pltpu.SemaphoreType.DMA,
    ],
)
def _sc_gather(flat_hbm, idx_hbm, out_hbm, idx_v, eidx_v, gath_v, sem_i, sem_g):
    wid = lax.axis_index("s") * _NC + lax.axis_index("c")
    base = wid * _BPW
    pltpu.async_copy(idx_hbm.at[pl.ds(base, _BPW)], idx_v, sem_i).wait()

    lane = lax.iota(jnp.int32, _V)

    @pl.loop(0, _BPW // _V)
    def expand(c):
        ivec = idx_v[pl.ds(c * _V, _V)] * _D
        for t in range(_V):
            s = ivec[t]
            for h in range(_D // _V):
                eidx_v[pl.ds((c * _V + t) * _D + h * _V, _V)] = s + h * _V + lane

    pltpu.async_copy(flat_hbm.at[eidx_v], gath_v, sem_g).wait()
    pltpu.sync_copy(gath_v, out_hbm.at[pl.ds(base * _D, _BPW * _D)])


def kernel(idx, representations):
    flat = representations.reshape(-1)
    out = _sc_gather(flat, idx.astype(jnp.int32))
    return out.reshape(_B, _D)

# --- scband reference (transcript-rebuilt; emitter-appended) ---
"""Pipeline reference for scband-instance-representation-11811160064491 (READ-ONLY COPY).

The authoritative reference and input builder live on the scoring server;
editing this copy changes nothing except your own understanding.
"""

import jax, jax.numpy as jnp
import numpy as np

NUM_SUBJECTS = 1000000
FEAT_SIZE = 32
FEAT_STD = 1.0
BATCH = 16384

def setup_inputs(seed: int = 0) -> dict:
    key = jax.random.key(seed)
    k_idx, k_rep = jax.random.split(key)
    idx = jax.random.randint(k_idx, (BATCH,), 0, NUM_SUBJECTS, dtype=jnp.int64 if jax.config.jax_enable_x64 else jnp.int32)
    representations = FEAT_STD * jax.random.normal(k_rep, (NUM_SUBJECTS, FEAT_SIZE), dtype=jnp.float32)
    return {"idx": idx, "representations": representations}

def reference(idx, representations):
    # Faithful translation of: return self.representations[idx]
    return jnp.take(representations, idx, axis=0)

if __name__ == "__main__":
    import jax
    _d = setup_inputs()
    print(jax.jit(kernel)(*tuple(_d.values())))

</pallas_src>

<mosaic_0001>
#map = affine_map<(d0, d1) -> (0)>
module attributes {stable_mosaic.version = 14 : i64} {
  func.func @_sc_gather(%arg0: i32, %arg1: i32, %arg2: memref<32000000xf32, #tpu.memory_space<hbm>>, %arg3: memref<16384xi32, #tpu.memory_space<hbm>>, %arg4: memref<524288xf32, #tpu.memory_space<hbm>>, %arg5: memref<512xi32, #tpu.memory_space<vmem>>, %arg6: memref<16384xi32, #tpu.memory_space<vmem>>, %arg7: memref<16384xf32, #tpu.memory_space<vmem>>, %arg8: memref<!tpu.dma_semaphore, #tpu.memory_space<semaphore_mem>>, %arg9: memref<!tpu.dma_semaphore, #tpu.memory_space<semaphore_mem>>) attributes {dimension_semantics = [#tpu.dimension_semantics<core_parallel>, #tpu.dimension_semantics<subcore_parallel>], iteration_bounds = array<i64: 2, 16>, scalar_prefetch = 0 : i64, scratch_operands = 5 : i64, tpu.core_type = #tpu.core_type<sc_vector_subcore>, window_params = [{transform_indices = #map}, {transform_indices = #map}, {transform_indices = #map}]} {
    %mul3A = arith.constant 2 : i32
    %mul3A_0 = arith.muli %arg1, %mul3A : i32
    %add3A = arith.addi %mul3A_0, %arg0 : i32
    %mul3A_1 = arith.constant 512 : i32
    %mul3A_2 = arith.muli %add3A, %mul3A_1 : i32
    %dma_start3A = tpu.memref_slice %arg3[%mul3A_2] : memref<16384xi32, #tpu.memory_space<hbm>> -> memref<512xi32, #tpu.memory_space<hbm>>
    %dma_start3A_3 = tpu.memref_slice %arg3[%mul3A_2] : memref<16384xi32, #tpu.memory_space<hbm>> -> memref<512xi32, #tpu.memory_space<hbm>>
    tpu.enqueue_dma source(%dma_start3A_3 : memref<512xi32, #tpu.memory_space<hbm>>) target(%arg5 : memref<512xi32, #tpu.memory_space<vmem>>) target_semaphore(%arg8 : memref<!tpu.dma_semaphore, #tpu.memory_space<semaphore_mem>>)
    %dma_wait3A = tpu.memref_slice %arg3[%mul3A_2] : memref<16384xi32, #tpu.memory_space<hbm>> -> memref<512xi32, #tpu.memory_space<hbm>>
    %dma_wait3A_4 = tpu.memref_slice %arg3[%mul3A_2] : memref<16384xi32, #tpu.memory_space<hbm>> -> memref<512xi32, #tpu.memory_space<hbm>>
    tpu.wait_dma2 semaphore(%arg8 : memref<!tpu.dma_semaphore, #tpu.memory_space<semaphore_mem>>) src(%dma_wait3A_4 : memref<512xi32, #tpu.memory_space<hbm>>) dst(%arg5 : memref<512xi32, #tpu.memory_space<vmem>>)
    %iota3A = tpu.iota {dimensions = array<i32: 0>} : vector<16xi32>
    %scan3A = arith.constant 0 : i32
    %scan3A_5 = arith.constant 32 : i32
    %scan3A_6 = arith.addi %scan3A, %scan3A_5 : i32
    %scan3A_7 = arith.constant 1 : i32
    scf.for %scan3A_15 = %scan3A to %scan3A_6 step %scan3A_7  : i32 {
      %mul3A_16 = arith.constant 1 : i32
      %mul3A_17 = arith.muli %scan3A_15, %mul3A_16 : i32
      %add3A_18 = arith.constant 0 : i32
      %add3A_19 = arith.addi %add3A_18, %mul3A_17 : i32
      %mul3A_20 = arith.constant 16 : i32
      %mul3A_21 = arith.muli %add3A_19, %mul3A_20 : i32
      %get3A = arith.index_cast %mul3A_21 : i32 to index
      %get3A_22 = tpu.vector_load %arg5[%get3A] {strides = array<i32>} : memref<512xi32, #tpu.memory_space<vmem>>, vector<16xi32>,
      %get3A_23 = vector.shape_cast %get3A_22 : vector<16xi32> to vector<16xi32>
      %mul3A_24 = arith.constant 32 : i32
      %mul3A_25 = vector.broadcast %mul3A_24 : i32 to vector<16xi32>
      %mul3A_26 = arith.muli %get3A_23, %mul3A_25 : vector<16xi32>
      %slice3A = vector.extract_strided_slice %mul3A_26 {offsets = [0], sizes = [1], strides = [1]} : vector<16xi32> to vector<1xi32>
      %squeeze3A = vector.extract %slice3A[0] : i32 from vector<1xi32>
      %add3A_27 = arith.constant 0 : i32
      %add3A_28 = arith.addi %squeeze3A, %add3A_27 : i32
      %add3A_29 = vector.broadcast %add3A_28 : i32 to vector<16xi32>
      %add3A_30 = arith.addi %add3A_29, %iota3A : vector<16xi32>
      %mul3A_31 = arith.constant 16 : i32
      %mul3A_32 = arith.muli %add3A_19, %mul3A_31 : i32
      %add3A_33 = arith.constant 0 : i32
      %add3A_34 = arith.addi %mul3A_32, %add3A_33 : i32
      %mul3A_35 = arith.constant 32 : i32
      %mul3A_36 = arith.muli %add3A_34, %mul3A_35 : i32
      %add3A_37 = arith.constant 0 : i32
      %add3A_38 = arith.addi %mul3A_36, %add3A_37 : i32
      %swap3A = arith.index_cast %add3A_38 : i32 to index
      %swap3A_39 = tpu.vector_load %arg6[%swap3A] {strides = array<i32>} : memref<16384xi32, #tpu.memory_space<vmem>>, vector<16xi32>,
      %swap3A_40 = vector.shape_cast %swap3A_39 : vector<16xi32> to vector<16xi32>
      %swap3A_41 = vector.shape_cast %add3A_30 : vector<16xi32> to vector<16xi32>
      tpu.vector_store %arg6[%swap3A], %swap3A_41 {strides = array<i32>} : memref<16384xi32, #tpu.memory_space<vmem>>, vector<16xi32>,
      %add3A_42 = arith.constant 16 : i32
      %add3A_43 = arith.addi %squeeze3A, %add3A_42 : i32
      %add3A_44 = vector.broadcast %add3A_43 : i32 to vector<16xi32>
      %add3A_45 = arith.addi %add3A_44, %iota3A : vector<16xi32>
      %mul3A_46 = arith.constant 16 : i32
      %mul3A_47 = arith.muli %add3A_19, %mul3A_46 : i32
      %add3A_48 = arith.constant 0 : i32
      %add3A_49 = arith.addi %mul3A_47, %add3A_48 : i32
      %mul3A_50 = arith.constant 32 : i32
      %mul3A_51 = arith.muli %add3A_49, %mul3A_50 : i32
      %add3A_52 = arith.constant 16 : i32
      %add3A_53 = arith.addi %mul3A_51, %add3A_52 : i32
      %swap3A_54 = arith.index_cast %add3A_53 : i32 to index
      %swap3A_55 = tpu.vector_load %arg6[%swap3A_54] {strides = array<i32>} : memref<16384xi32, #tpu.memory_space<vmem>>, vector<16xi32>,
      %swap3A_56 = vector.shape_cast %swap3A_55 : vector<16xi32> to vector<16xi32>
      %swap3A_57 = vector.shape_cast %add3A_45 : vector<16xi32> to vector<16xi32>
      tpu.vector_store %arg6[%swap3A_54], %swap3A_57 {strides = array<i32>} : memref<16384xi32, #tpu.memory_space<vmem>>, vector<16xi32>,
      %slice3A_58 = vector.extract_strided_slice %mul3A_26 {offsets = [1], sizes = [1], strides = [1]} : vector<16xi32> to vector<1xi32>
      %squeeze3A_59 = vector.extract %slice3A_58[0] : i32 from vector<1xi32>
      %add3A_60 = arith.constant 0 : i32
      %add3A_61 = arith.addi %squeeze3A_59, %add3A_60 : i32
      %add3A_62 = vector.broadcast %add3A_61 : i32 to vector<16xi32>
      %add3A_63 = arith.addi %add3A_62, %iota3A : vector<16xi32>
      %mul3A_64 = arith.constant 16 : i32
      %mul3A_65 = arith.muli %add3A_19, %mul3A_64 : i32
      %add3A_66 = arith.constant 1 : i32
      %add3A_67 = arith.addi %mul3A_65, %add3A_66 : i32
      %mul3A_68 = arith.constant 32 : i32
      %mul3A_69 = arith.muli %add3A_67, %mul3A_68 : i32
      %add3A_70 = arith.constant 0 : i32
      %add3A_71 = arith.addi %mul3A_69, %add3A_70 : i32
      %swap3A_72 = arith.index_cast %add3A_71 : i32 to index
      %swap3A_73 = tpu.vector_load %arg6[%swap3A_72] {strides = array<i32>} : memref<16384xi32, #tpu.memory_space<vmem>>, vector<16xi32>,
      %swap3A_74 = vector.shape_cast %swap3A_73 : vector<16xi32> to vector<16xi32>
      %swap3A_75 = vector.shape_cast %add3A_63 : vector<16xi32> to vector<16xi32>
      tpu.vector_store %arg6[%swap3A_72], %swap3A_75 {strides = array<i32>} : memref<16384xi32, #tpu.memory_space<vmem>>, vector<16xi32>,
      %add3A_76 = arith.constant 16 : i32
      %add3A_77 = arith.addi %squeeze3A_59, %add3A_76 : i32
      %add3A_78 = vector.broadcast %add3A_77 : i32 to vector<16xi32>
      %add3A_79 = arith.addi %add3A_78, %iota3A : vector<16xi32>
      %mul3A_80 = arith.constant 16 : i32
      %mul3A_81 = arith.muli %add3A_19, %mul3A_80 : i32
      %add3A_82 = arith.constant 1 : i32
      %add3A_83 = arith.addi %mul3A_81, %add3A_82 : i32
      %mul3A_84 = arith.constant 32 : i32
      %mul3A_85 = arith.muli %add3A_83, %mul3A_84 : i32
      %add3A_86 = arith.constant 16 : i32
      %add3A_87 = arith.addi %mul3A_85, %add3A_86 : i32
      %swap3A_88 = arith.index_cast %add3A_87 : i32 to index
      %swap3A_89 = tpu.vector_load %arg6[%swap3A_88] {strides = array<i32>} : memref<16384xi32, #tpu.memory_space<vmem>>, vector<16xi32>,
      %swap3A_90 = vector.shape_cast %swap3A_89 : vector<16xi32> to vector<16xi32>
      %swap3A_91 = vector.shape_cast %add3A_79 : vector<16xi32> to vector<16xi32>
      tpu.vector_store %arg6[%swap3A_88], %swap3A_91 {strides = array<i32>} : memref<16384xi32, #tpu.memory_space<vmem>>, vector<16xi32>,
      %slice3A_92 = vector.extract_strided_slice %mul3A_26 {offsets = [2], sizes = [1], strides = [1]} : vector<16xi32> to vector<1xi32>
      %squeeze3A_93 = vector.extract %slice3A_92[0] : i32 from vector<1xi32>
      %add3A_94 = arith.constant 0 : i32
      %add3A_95 = arith.addi %squeeze3A_93, %add3A_94 : i32
      %add3A_96 = vector.broadcast %add3A_95 : i32 to vector<16xi32>
      %add3A_97 = arith.addi %add3A_96, %iota3A : vector<16xi32>
      %mul3A_98 = arith.constant 16 : i32
      %mul3A_99 = arith.muli %add3A_19, %mul3A_98 : i32
      %add3A_100 = arith.constant 2 : i32
      %add3A_101 = arith.addi %mul3A_99, %add3A_100 : i32
      %mul3A_102 = arith.constant 32 : i32
      %mul3A_103 = arith.muli %add3A_101, %mul3A_102 : i32
      %add3A_104 = arith.constant 0 : i32
      %add3A_105 = arith.addi %mul3A_103, %add3A_104 : i32
      %swap3A_106 = arith.index_cast %add3A_105 : i32 to index
      %swap3A_107 = tpu.vector_load %arg6[%swap3A_106] {strides = array<i32>} : memref<16384xi32, #tpu.memory_space<vmem>>, vector<16xi32>,
      %swap3A_108 = vector.shape_cast %swap3A_107 : vector<16xi32> to vector<16xi32>
      %swap3A_109 = vector.shape_cast %add3A_97 : vector<16xi32> to vector<16xi32>
      tpu.vector_store %arg6[%swap3A_106], %swap3A_109 {strides = array<i32>} : memref<16384xi32, #tpu.memory_space<vmem>>, vector<16xi32>,
      %add3A_110 = arith.constant 16 : i32
      %add3A_111 = arith.addi %squeeze3A_93, %add3A_110 : i32
      %add3A_112 = vector.broadcast %add3A_111 : i32 to vector<16xi32>
      %add3A_113 = arith.addi %add3A_112, %iota3A : vector<16xi32>
      %mul3A_114 = arith.constant 16 : i32
      %mul3A_115 = arith.muli %add3A_19, %mul3A_114 : i32
      %add3A_116 = arith.constant 2 : i32
      %add3A_117 = arith.addi %mul3A_115, %add3A_116 : i32
      %mul3A_118 = arith.constant 32 : i32
      %mul3A_119 = arith.muli %add3A_117, %mul3A_118 : i32
      %add3A_120 = arith.constant 16 : i32
      %add3A_121 = arith.addi %mul3A_119, %add3A_120 : i32
      %swap3A_122 = arith.index_cast %add3A_121 : i32 to index
      %swap3A_123 = tpu.vector_load %arg6[%swap3A_122] {strides = array<i32>} : memref<16384xi32, #tpu.memory_space<vmem>>, vector<16xi32>,
      %swap3A_124 = vector.shape_cast %swap3A_123 : vector<16xi32> to vector<16xi32>
      %swap3A_125 = vector.shape_cast %add3A_113 : vector<16xi32> to vector<16xi32>
      tpu.vector_store %arg6[%swap3A_122], %swap3A_125 {strides = array<i32>} : memref<16384xi32, #tpu.memory_space<vmem>>, vector<16xi32>,
      %slice3A_126 = vector.extract_strided_slice %mul3A_26 {offsets = [3], sizes = [1], strides = [1]} : vector<16xi32> to vector<1xi32>
      %squeeze3A_127 = vector.extract %slice3A_126[0] : i32 from vector<1xi32>
      %add3A_128 = arith.constant 0 : i32
      %add3A_129 = arith.addi %squeeze3A_127, %add3A_128 : i32
      %add3A_130 = vector.broadcast %add3A_129 : i32 to vector<16xi32>
      %add3A_131 = arith.addi %add3A_130, %iota3A : vector<16xi32>
      %mul3A_132 = arith.constant 16 : i32
      %mul3A_133 = arith.muli %add3A_19, %mul3A_132 : i32
      %add3A_134 = arith.constant 3 : i32
      %add3A_135 = arith.addi %mul3A_133, %add3A_134 : i32
      %mul3A_136 = arith.constant 32 : i32
      %mul3A_137 = arith.muli %add3A_135, %mul3A_136 : i32
      %add3A_138 = arith.constant 0 : i32
      %add3A_139 = arith.addi %mul3A_137, %add3A_138 : i32
      %swap3A_140 = arith.index_cast %add3A_139 : i32 to index
      %swap3A_141 = tpu.vector_load %arg6[%swap3A_140] {strides = array<i32>} : memref<16384xi32, #tpu.memory_space<vmem>>, vector<16xi32>,
      %swap3A_142 = vector.shape_cast %swap3A_141 : vector<16xi32> to vector<16xi32>
      %swap3A_143 = vector.shape_cast %add3A_131 : vector<16xi32> to vector<16xi32>
      tpu.vector_store %arg6[%swap3A_140], %swap3A_143 {strides = array<i32>} : memref<16384xi32, #tpu.memory_space<vmem>>, vector<16xi32>,
      %add3A_144 = arith.constant 16 : i32
      %add3A_145 = arith.addi %squeeze3A_127, %add3A_144 : i32
      %add3A_146 = vector.broadcast %add3A_145 : i32 to vector<16xi32>
      %add3A_147 = arith.addi %add3A_146, %iota3A : vector<16xi32>
      %mul3A_148 = arith.constant 16 : i32
      %mul3A_149 = arith.muli %add3A_19, %mul3A_148 : i32
      %add3A_150 = arith.constant 3 : i32
      %add3A_151 = arith.addi %mul3A_149, %add3A_150 : i32
      %mul3A_152 = arith.constant 32 : i32
      %mul3A_153 = arith.muli %add3A_151, %mul3A_152 : i32
      %add3A_154 = arith.constant 16 : i32
      %add3A_155 = arith.addi %mul3A_153, %add3A_154 : i32
      %swap3A_156 = arith.index_cast %add3A_155 : i32 to index
      %swap3A_157 = tpu.vector_load %arg6[%swap3A_156] {strides = array<i32>} : memref<16384xi32, #tpu.memory_space<vmem>>, vector<16xi32>,
      %swap3A_158 = vector.shape_cast %swap3A_157 : vector<16xi32> to vector<16xi32>
      %swap3A_159 = vector.shape_cast %add3A_147 : vector<16xi32> to vector<16xi32>
      tpu.vector_store %arg6[%swap3A_156], %swap3A_159 {strides = array<i32>} : memref<16384xi32, #tpu.memory_space<vmem>>, vector<16xi32>,
      %slice3A_160 = vector.extract_strided_slice %mul3A_26 {offsets = [4], sizes = [1], strides = [1]} : vector<16xi32> to vector<1xi32>
      %squeeze3A_161 = vector.extract %slice3A_160[0] : i32 from vector<1xi32>
      %add3A_162 = arith.constant 0 : i32
      %add3A_163 = arith.addi %squeeze3A_161, %add3A_162 : i32
      %add3A_164 = vector.broadcast %add3A_163 : i32 to vector<16xi32>
      %add3A_165 = arith.addi %add3A_164, %iota3A : vector<16xi32>
      %mul3A_166 = arith.constant 16 : i32
      %mul3A_167 = arith.muli %add3A_19, %mul3A_166 : i32
      %add3A_168 = arith.constant 4 : i32
      %add3A_169 = arith.addi %mul3A_167, %add3A_168 : i32
      %mul3A_170 = arith.constant 32 : i32
      %mul3A_171 = arith.muli %add3A_169, %mul3A_170 : i32
      %add3A_172 = arith.constant 0 : i32
      %add3A_173 = arith.addi %mul3A_171, %add3A_172 : i32
      %swap3A_174 = arith.index_cast %add3A_173 : i32 to index
      %swap3A_175 = tpu.vector_load %arg6[%swap3A_174] {strides = array<i32>} : memref<16384xi32, #tpu.memory_space<vmem>>, vector<16xi32>,
      %swap3A_176 = vector.shape_cast %swap3A_175 : vector<16xi32> to vector<16xi32>
      %swap3A_177 = vector.shape_cast %add3A_165 : vector<16xi32> to vector<16xi32>
      tpu.vector_store %arg6[%swap3A_174], %swap3A_177 {strides = array<i32>} : memref<16384xi32, #tpu.memory_space<vmem>>, vector<16xi32>,
      %add3A_178 = arith.constant 16 : i32
      %add3A_179 = arith.addi %squeeze3A_161, %add3A_178 : i32
      %add3A_180 = vector.broadcast %add3A_179 : i32 to vector<16xi32>
      %add3A_181 = arith.addi %add3A_180, %iota3A : vector<16xi32>
      %mul3A_182 = arith.constant 16 : i32
      %mul3A_183 = arith.muli %add3A_19, %mul3A_182 : i32
      %add3A_184 = arith.constant 4 : i32
      %add3A_185 = arith.addi %mul3A_183, %add3A_184 : i32
      %mul3A_186 = arith.constant 32 : i32
      %mul3A_187 = arith.muli %add3A_185, %mul3A_186 : i32
      %add3A_188 = arith.constant 16 : i32
      %add3A_189 = arith.addi %mul3A_187, %add3A_188 : i32
      %swap3A_190 = arith.index_cast %add3A_189 : i32 to index
      %swap3A_191 = tpu.vector_load %arg6[%swap3A_190] {strides = array<i32>} : memref<16384xi32, #tpu.memory_space<vmem>>, vector<16xi32>,
      %swap3A_192 = vector.shape_cast %swap3A_191 : vector<16xi32> to vector<16xi32>
      %swap3A_193 = vector.shape_cast %add3A_181 : vector<16xi32> to vector<16xi32>
      tpu.vector_store %arg6[%swap3A_190], %swap3A_193 {strides = array<i32>} : memref<16384xi32, #tpu.memory_space<vmem>>, vector<16xi32>,
      %slice3A_194 = vector.extract_strided_slice %mul3A_26 {offsets = [5], sizes = [1], strides = [1]} : vector<16xi32> to vector<1xi32>
      %squeeze3A_195 = vector.extract %slice3A_194[0] : i32 from vector<1xi32>
      %add3A_196 = arith.constant 0 : i32
      %add3A_197 = arith.addi %squeeze3A_195, %add3A_196 : i32
      %add3A_198 = vector.broadcast %add3A_197 : i32 to vector<16xi32>
      %add3A_199 = arith.addi %add3A_198, %iota3A : vector<16xi32>
      %mul3A_200 = arith.constant 16 : i32
      %mul3A_201 = arith.muli %add3A_19, %mul3A_200 : i32
      %add3A_202 = arith.constant 5 : i32
      %add3A_203 = arith.addi %mul3A_201, %add3A_202 : i32
      %mul3A_204 = arith.constant 32 : i32
      %mul3A_205 = arith.muli %add3A_203, %mul3A_204 : i32
      %add3A_206 = arith.constant 0 : i32
      %add3A_207 = arith.addi %mul3A_205, %add3A_206 : i32
      %swap3A_208 = arith.index_cast %add3A_207 : i32 to index
      %swap3A_209 = tpu.vector_load %arg6[%swap3A_208] {strides = array<i32>} : memref<16384xi32, #tpu.memory_space<vmem>>, vector<16xi32>,
      %swap3A_210 = vector.shape_cast %swap3A_209 : vector<16xi32> to vector<16xi32>
      %swap3A_211 = vector.shape_cast %add3A_199 : vector<16xi32> to vector<16xi32>
      tpu.vector_store %arg6[%swap3A_208], %swap3A_211 {strides = array<i32>} : memref<16384xi32, #tpu.memory_space<vmem>>, vector<16xi32>,
      %add3A_212 = arith.constant 16 : i32
      %add3A_213 = arith.addi %squeeze3A_195, %add3A_212 : i32
      %add3A_214 = vector.broadcast %add3A_213 : i32 to vector<16xi32>
      %add3A_215 = arith.addi %add3A_214, %iota3A : vector<16xi32>
      %mul3A_216 = arith.constant 16 : i32
      %mul3A_217 = arith.muli %add3A_19, %mul3A_216 : i32
      %add3A_218 = arith.constant 5 : i32
      %add3A_219 = arith.addi %mul3A_217, %add3A_218 : i32
      %mul3A_220 = arith.constant 32 : i32
      %mul3A_221 = arith.muli %add3A_219, %mul3A_220 : i32
      %add3A_222 = arith.constant 16 : i32
      %add3A_223 = arith.addi %mul3A_221, %add3A_222 : i32
      %swap3A_224 = arith.index_cast %add3A_223 : i32 to index
      %swap3A_225 = tpu.vector_load %arg6[%swap3A_224] {strides = array<i32>} : memref<16384xi32, #tpu.memory_space<vmem>>, vector<16xi32>,
      %swap3A_226 = vector.shape_cast %swap3A_225 : vector<16xi32> to vector<16xi32>
      %swap3A_227 = vector.shape_cast %add3A_215 : vector<16xi32> to vector<16xi32>
      tpu.vector_store %arg6[%swap3A_224], %swap3A_227 {strides = array<i32>} : memref<16384xi32, #tpu.memory_space<vmem>>, vector<16xi32>,
      %slice3A_228 = vector.extract_strided_slice %mul3A_26 {offsets = [6], sizes = [1], strides = [1]} : vector<16xi32> to vector<1xi32>
      %squeeze3A_229 = vector.extract %slice3A_228[0] : i32 from vector<1xi32>
      %add3A_230 = arith.constant 0 : i32
      %add3A_231 = arith.addi %squeeze3A_229, %add3A_230 : i32
      %add3A_232 = vector.broadcast %add3A_231 : i32 to vector<16xi32>
      %add3A_233 = arith.addi %add3A_232, %iota3A : vector<16xi32>
      %mul3A_234 = arith.constant 16 : i32
      %mul3A_235 = arith.muli %add3A_19, %mul3A_234 : i32
      %add3A_236 = arith.constant 6 : i32
      %add3A_237 = arith.addi %mul3A_235, %add3A_236 : i32
      %mul3A_238 = arith.constant 32 : i32
      %mul3A_239 = arith.muli %add3A_237, %mul3A_238 : i32
      %add3A_240 = arith.constant 0 : i32
      %add3A_241 = arith.addi %mul3A_239, %add3A_240 : i32
      %swap3A_242 = arith.index_cast %add3A_241 : i32 to index
      %swap3A_243 = tpu.vector_load %arg6[%swap3A_242] {strides = array<i32>} : memref<16384xi32, #tpu.memory_space<vmem>>, vector<16xi32>,
      %swap3A_244 = vector.shape_cast %swap3A_243 : vector<16xi32> to vector<16xi32>
      %swap3A_245 = vector.shape_cast %add3A_233 : vector<16xi32> to vector<16xi32>
      tpu.vector_store %arg6[%swap3A_242], %swap3A_245 {strides = array<i32>} : memref<16384xi32, #tpu.memory_space<vmem>>, vector<16xi32>,
      %add3A_246 = arith.constant 16 : i32
      %add3A_247 = arith.addi %squeeze3A_229, %add3A_246 : i32
      %add3A_248 = vector.broadcast %add3A_247 : i32 to vector<16xi32>
      %add3A_249 = arith.addi %add3A_248, %iota3A : vector<16xi32>
      %mul3A_250 = arith.constant 16 : i32
      %mul3A_251 = arith.muli %add3A_19, %mul3A_250 : i32
      %add3A_252 = arith.constant 6 : i32
      %add3A_253 = arith.addi %mul3A_251, %add3A_252 : i32
      %mul3A_254 = arith.constant 32 : i32
      %mul3A_255 = arith.muli %add3A_253, %mul3A_254 : i32
      %add3A_256 = arith.constant 16 : i32
      %add3A_257 = arith.addi %mul3A_255, %add3A_256 : i32
      %swap3A_258 = arith.index_cast %add3A_257 : i32 to index
      %swap3A_259 = tpu.vector_load %arg6[%swap3A_258] {strides = array<i32>} : memref<16384xi32, #tpu.memory_space<vmem>>, vector<16xi32>,
      %swap3A_260 = vector.shape_cast %swap3A_259 : vector<16xi32> to vector<16xi32>
      %swap3A_261 = vector.shape_cast %add3A_249 : vector<16xi32> to vector<16xi32>
      tpu.vector_store %arg6[%swap3A_258], %swap3A_261 {strides = array<i32>} : memref<16384xi32, #tpu.memory_space<vmem>>, vector<16xi32>,
      %slice3A_262 = vector.extract_strided_slice %mul3A_26 {offsets = [7], sizes = [1], strides = [1]} : vector<16xi32> to vector<1xi32>
      %squeeze3A_263 = vector.extract %slice3A_262[0] : i32 from vector<1xi32>
      %add3A_264 = arith.constant 0 : i32
      %add3A_265 = arith.addi %squeeze3A_263, %add3A_264 : i32
      %add3A_266 = vector.broadcast %add3A_265 : i32 to vector<16xi32>
      %add3A_267 = arith.addi %add3A_266, %iota3A : vector<16xi32>
      %mul3A_268 = arith.constant 16 : i32
      %mul3A_269 = arith.muli %add3A_19, %mul3A_268 : i32
      %add3A_270 = arith.constant 7 : i32
      %add3A_271 = arith.addi %mul3A_269, %add3A_270 : i32
      %mul3A_272 = arith.constant 32 : i32
      %mul3A_273 = arith.muli %add3A_271, %mul3A_272 : i32
      %add3A_274 = arith.constant 0 : i32
      %add3A_275 = arith.addi %mul3A_273, %add3A_274 : i32
      %swap3A_276 = arith.index_cast %add3A_275 : i32 to index
      %swap3A_277 = tpu.vector_load %arg6[%swap3A_276] {strides = array<i32>} : memref<16384xi32, #tpu.memory_space<vmem>>, vector<16xi32>,
      %swap3A_278 = vector.shape_cast %swap3A_277 : vector<16xi32> to vector<16xi32>
      %swap3A_279 = vector.shape_cast %add3A_267 : vector<16xi32> to vector<16xi32>
      tpu.vector_store %arg6[%swap3A_276], %swap3A_279 {strides = array<i32>} : memref<16384xi32, #tpu.memory_space<vmem>>, vector<16xi32>,
      %add3A_280 = arith.constant 16 : i32
      %add3A_281 = arith.addi %squeeze3A_263, %add3A_280 : i32
      %add3A_282 = vector.broadcast %add3A_281 : i32 to vector<16xi32>
      %add3A_283 = arith.addi %add3A_282, %iota3A : vector<16xi32>
      %mul3A_284 = arith.constant 16 : i32
      %mul3A_285 = arith.muli %add3A_19, %mul3A_284 : i32
      %add3A_286 = arith.constant 7 : i32
      %add3A_287 = arith.addi %mul3A_285, %add3A_286 : i32
      %mul3A_288 = arith.constant 32 : i32
      %mul3A_289 = arith.muli %add3A_287, %mul3A_288 : i32
      %add3A_290 = arith.constant 16 : i32
      %add3A_291 = arith.addi %mul3A_289, %add3A_290 : i32
      %swap3A_292 = arith.index_cast %add3A_291 : i32 to index
      %swap3A_293 = tpu.vector_load %arg6[%swap3A_292] {strides = array<i32>} : memref<16384xi32, #tpu.memory_space<vmem>>, vector<16xi32>,
      %swap3A_294 = vector.shape_cast %swap3A_293 : vector<16xi32> to vector<16xi32>
      %swap3A_295 = vector.shape_cast %add3A_283 : vector<16xi32> to vector<16xi32>
      tpu.vector_store %arg6[%swap3A_292], %swap3A_295 {strides = array<i32>} : memref<16384xi32, #tpu.memory_space<vmem>>, vector<16xi32>,
      %slice3A_296 = vector.extract_strided_slice %mul3A_26 {offsets = [8], sizes = [1], strides = [1]} : vector<16xi32> to vector<1xi32>
      %squeeze3A_297 = vector.extract %slice3A_296[0] : i32 from vector<1xi32>
      %add3A_298 = arith.constant 0 : i32
      %add3A_299 = arith.addi %squeeze3A_297, %add3A_298 : i32
      %add3A_300 = vector.broadcast %add3A_299 : i32 to vector<16xi32>
      %add3A_301 = arith.addi %add3A_300, %iota3A : vector<16xi32>
      %mul3A_302 = arith.constant 16 : i32
      %mul3A_303 = arith.muli %add3A_19, %mul3A_302 : i32
      %add3A_304 = arith.constant 8 : i32
      %add3A_305 = arith.addi %mul3A_303, %add3A_304 : i32
      %mul3A_306 = arith.constant 32 : i32
      %mul3A_307 = arith.muli %add3A_305, %mul3A_306 : i32
      %add3A_308 = arith.constant 0 : i32
      %add3A_309 = arith.addi %mul3A_307, %add3A_308 : i32
      %swap3A_310 = arith.index_cast %add3A_309 : i32 to index
      %swap3A_311 = tpu.vector_load %arg6[%swap3A_310] {strides = array<i32>} : memref<16384xi32, #tpu.memory_space<vmem>>, vector<16xi32>,
      %swap3A_312 = vector.shape_cast %swap3A_311 : vector<16xi32> to vector<16xi32>
      %swap3A_313 = vector.shape_cast %add3A_301 : vector<16xi32> to vector<16xi32>
      tpu.vector_store %arg6[%swap3A_310], %swap3A_313 {strides = array<i32>} : memref<16384xi32, #tpu.memory_space<vmem>>, vector<16xi32>,
      %add3A_314 = arith.constant 16 : i32
      %add3A_315 = arith.addi %squeeze3A_297, %add3A_314 : i32
      %add3A_316 = vector.broadcast %add3A_315 : i32 to vector<16xi32>
      %add3A_317 = arith.addi %add3A_316, %iota3A : vector<16xi32>
      %mul3A_318 = arith.constant 16 : i32
      %mul3A_319 = arith.muli %add3A_19, %mul3A_318 : i32
      %add3A_320 = arith.constant 8 : i32
      %add3A_321 = arith.addi %mul3A_319, %add3A_320 : i32
      %mul3A_322 = arith.constant 32 : i32
      %mul3A_323 = arith.muli %add3A_321, %mul3A_322 : i32
      %add3A_324 = arith.constant 16 : i32
      %add3A_325 = arith.addi %mul3A_323, %add3A_324 : i32
      %swap3A_326 = arith.index_cast %add3A_325 : i32 to index
      %swap3A_327 = tpu.vector_load %arg6[%swap3A_326] {strides = array<i32>} : memref<16384xi32, #tpu.memory_space<vmem>>, vector<16xi32>,
      %swap3A_328 = vector.shape_cast %swap3A_327 : vector<16xi32> to vector<16xi32>
      %swap3A_329 = vector.shape_cast %add3A_317 : vector<16xi32> to vector<16xi32>
      tpu.vector_store %arg6[%swap3A_326], %swap3A_329 {strides = array<i32>} : memref<16384xi32, #tpu.memory_space<vmem>>, vector<16xi32>,
      %slice3A_330 = vector.extract_strided_slice %mul3A_26 {offsets = [9], sizes = [1], strides = [1]} : vector<16xi32> to vector<1xi32>
      %squeeze3A_331 = vector.extract %slice3A_330[0] : i32 from vector<1xi32>
      %add3A_332 = arith.constant 0 : i32
      %add3A_333 = arith.addi %squeeze3A_331, %add3A_332 : i32
      %add3A_334 = vector.broadcast %add3A_333 : i32 to vector<16xi32>
      %add3A_335 = arith.addi %add3A_334, %iota3A : vector<16xi32>
      %mul3A_336 = arith.constant 16 : i32
      %mul3A_337 = arith.muli %add3A_19, %mul3A_336 : i32
      %add3A_338 = arith.constant 9 : i32
      %add3A_339 = arith.addi %mul3A_337, %add3A_338 : i32
      %mul3A_340 = arith.constant 32 : i32
      %mul3A_341 = arith.muli %add3A_339, %mul3A_340 : i32
      %add3A_342 = arith.constant 0 : i32
      %add3A_343 = arith.addi %mul3A_341, %add3A_342 : i32
      %swap3A_344 = arith.index_cast %add3A_343 : i32 to index
      %swap3A_345 = tpu.vector_load %arg6[%swap3A_344] {strides = array<i32>} : memref<16384xi32, #tpu.memory_space<vmem>>, vector<16xi32>,
      %swap3A_346 = vector.shape_cast %swap3A_345 : vector<16xi32> to vector<16xi32>
      %swap3A_347 = vector.shape_cast %add3A_335 : vector<16xi32> to vector<16xi32>
      tpu.vector_store %arg6[%swap3A_344], %swap3A_347 {strides = array<i32>} : memref<16384xi32, #tpu.memory_space<vmem>>, vector<16xi32>,
      %add3A_348 = arith.constant 16 : i32
      %add3A_349 = arith.addi %squeeze3A_331, %add3A_348 : i32
      %add3A_350 = vector.broadcast %add3A_349 : i32 to vector<16xi32>
      %add3A_351 = arith.addi %add3A_350, %iota3A : vector<16xi32>
      %mul3A_352 = arith.constant 16 : i32
      %mul3A_353 = arith.muli %add3A_19, %mul3A_352 : i32
      %add3A_354 = arith.constant 9 : i32
      %add3A_355 = arith.addi %mul3A_353, %add3A_354 : i32
      %mul3A_356 = arith.constant 32 : i32
      %mul3A_357 = arith.muli %add3A_355, %mul3A_356 : i32
      %add3A_358 = arith.constant 16 : i32
      %add3A_359 = arith.addi %mul3A_357, %add3A_358 : i32
      %swap3A_360 = arith.index_cast %add3A_359 : i32 to index
      %swap3A_361 = tpu.vector_load %arg6[%swap3A_360] {strides = array<i32>} : memref<16384xi32, #tpu.memory_space<vmem>>, vector<16xi32>,
      %swap3A_362 = vector.shape_cast %swap3A_361 : vector<16xi32> to vector<16xi32>
      %swap3A_363 = vector.shape_cast %add3A_351 : vector<16xi32> to vector<16xi32>
      tpu.vector_store %arg6[%swap3A_360], %swap3A_363 {strides = array<i32>} : memref<16384xi32, #tpu.memory_space<vmem>>, vector<16xi32>,
      %slice3A_364 = vector.extract_strided_slice %mul3A_26 {offsets = [10], sizes = [1], strides = [1]} : vector<16xi32> to vector<1xi32>
      %squeeze3A_365 = vector.extract %slice3A_364[0] : i32 from vector<1xi32>
      %add3A_366 = arith.constant 0 : i32
      %add3A_367 = arith.addi %squeeze3A_365, %add3A_366 : i32
      %add3A_368 = vector.broadcast %add3A_367 : i32 to vector<16xi32>
      %add3A_369 = arith.addi %add3A_368, %iota3A : vector<16xi32>
      %mul3A_370 = arith.constant 16 : i32
      %mul3A_371 = arith.muli %add3A_19, %mul3A_370 : i32
      %add3A_372 = arith.constant 10 : i32
      %add3A_373 = arith.addi %mul3A_371, %add3A_372 : i32
      %mul3A_374 = arith.constant 32 : i32
      %mul3A_375 = arith.muli %add3A_373, %mul3A_374 : i32
      %add3A_376 = arith.constant 0 : i32
      %add3A_377 = arith.addi %mul3A_375, %add3A_376 : i32
      %swap3A_378 = arith.index_cast %add3A_377 : i32 to index
      %swap3A_379 = tpu.vector_load %arg6[%swap3A_378] {strides = array<i32>} : memref<16384xi32, #tpu.memory_space<vmem>>, vector<16xi32>,
      %swap3A_380 = vector.shape_cast %swap3A_379 : vector<16xi32> to vector<16xi32>
      %swap3A_381 = vector.shape_cast %add3A_369 : vector<16xi32> to vector<16xi32>
      tpu.vector_store %arg6[%swap3A_378], %swap3A_381 {strides = array<i32>} : memref<16384xi32, #tpu.memory_space<vmem>>, vector<16xi32>,
      %add3A_382 = arith.constant 16 : i32
      %add3A_383 = arith.addi %squeeze3A_365, %add3A_382 : i32
      %add3A_384 = vector.broadcast %add3A_383 : i32 to vector<16xi32>
      %add3A_385 = arith.addi %add3A_384, %iota3A : vector<16xi32>
      %mul3A_386 = arith.constant 16 : i32
      %mul3A_387 = arith.muli %add3A_19, %mul3A_386 : i32
      %add3A_388 = arith.constant 10 : i32
      %add3A_389 = arith.addi %mul3A_387, %add3A_388 : i32
      %mul3A_390 = arith.constant 32 : i32
      %mul3A_391 = arith.muli %add3A_389, %mul3A_390 : i32
      %add3A_392 = arith.constant 16 : i32
      %add3A_393 = arith.addi %mul3A_391, %add3A_392 : i32
      %swap3A_394 = arith.index_cast %add3A_393 : i32 to index
      %swap3A_395 = tpu.vector_load %arg6[%swap3A_394] {strides = array<i32>} : memref<16384xi32, #tpu.memory_space<vmem>>, vector<16xi32>,
      %swap3A_396 = vector.shape_cast %swap3A_395 : vector<16xi32> to vector<16xi32>
      %swap3A_397 = vector.shape_cast %add3A_385 : vector<16xi32> to vector<16xi32>
      tpu.vector_store %arg6[%swap3A_394], %swap3A_397 {strides = array<i32>} : memref<16384xi32, #tpu.memory_space<vmem>>, vector<16xi32>,
      %slice3A_398 = vector.extract_strided_slice %mul3A_26 {offsets = [11], sizes = [1], strides = [1]} : vector<16xi32> to vector<1xi32>
      %squeeze3A_399 = vector.extract %slice3A_398[0] : i32 from vector<1xi32>
      %add3A_400 = arith.constant 0 : i32
      %add3A_401 = arith.addi %squeeze3A_399, %add3A_400 : i32
      %add3A_402 = vector.broadcast %add3A_401 : i32 to vector<16xi32>
      %add3A_403 = arith.addi %add3A_402, %iota3A : vector<16xi32>
      %mul3A_404 = arith.constant 16 : i32
      %mul3A_405 = arith.muli %add3A_19, %mul3A_404 : i32
      %add3A_406 = arith.constant 11 : i32
      %add3A_407 = arith.addi %mul3A_405, %add3A_406 : i32
      %mul3A_408 = arith.constant 32 : i32
      %mul3A_409 = arith.muli %add3A_407, %mul3A_408 : i32
      %add3A_410 = arith.constant 0 : i32
      %add3A_411 = arith.addi %mul3A_409, %add3A_410 : i32
      %swap3A_412 = arith.index_cast %add3A_411 : i32 to index
      %swap3A_413 = tpu.vector_load %arg6[%swap3A_412] {strides = array<i32>} : memref<16384xi32, #tpu.memory_space<vmem>>, vector<16xi32>,
      %swap3A_414 = vector.shape_cast %swap3A_413 : vector<16xi32> to vector<16xi32>
      %swap3A_415 = vector.shape_cast %add3A_403 : vector<16xi32> to vector<16xi32>
      tpu.vector_store %arg6[%swap3A_412], %swap3A_415 {strides = array<i32>} : memref<16384xi32, #tpu.memory_space<vmem>>, vector<16xi32>,
      %add3A_416 = arith.constant 16 : i32
      %add3A_417 = arith.addi %squeeze3A_399, %add3A_416 : i32
      %add3A_418 = vector.broadcast %add3A_417 : i32 to vector<16xi32>
      %add3A_419 = arith.addi %add3A_418, %iota3A : vector<16xi32>
      %mul3A_420 = arith.constant 16 : i32
      %mul3A_421 = arith.muli %add3A_19, %mul3A_420 : i32
      %add3A_422 = arith.constant 11 : i32
      %add3A_423 = arith.addi %mul3A_421, %add3A_422 : i32
      %mul3A_424 = arith.constant 32 : i32
      %mul3A_425 = arith.muli %add3A_423, %mul3A_424 : i32
      %add3A_426 = arith.constant 16 : i32
      %add3A_427 = arith.addi %mul3A_425, %add3A_426 : i32
      %swap3A_428 = arith.index_cast %add3A_427 : i32 to index
      %swap3A_429 = tpu.vector_load %arg6[%swap3A_428] {strides = array<i32>} : memref<16384xi32, #tpu.memory_space<vmem>>, vector<16xi32>,
      %swap3A_430 = vector.shape_cast %swap3A_429 : vector<16xi32> to vector<16xi32>
      %swap3A_431 = vector.shape_cast %add3A_419 : vector<16xi32> to vector<16xi32>
      tpu.vector_store %arg6[%swap3A_428], %swap3A_431 {strides = array<i32>} : memref<16384xi32, #tpu.memory_space<vmem>>, vector<16xi32>,
      %slice3A_432 = vector.extract_strided_slice %mul3A_26 {offsets = [12], sizes = [1], strides = [1]} : vector<16xi32> to vector<1xi32>
      %squeeze3A_433 = vector.extract %slice3A_432[0] : i32 from vector<1xi32>
      %add3A_434 = arith.constant 0 : i32
      %add3A_435 = arith.addi %squeeze3A_433, %add3A_434 : i32
      %add3A_436 = vector.broadcast %add3A_435 : i32 to vector<16xi32>
      %add3A_437 = arith.addi %add3A_436, %iota3A : vector<16xi32>
      %mul3A_438 = arith.constant 16 : i32
      %mul3A_439 = arith.muli %add3A_19, %mul3A_438 : i32
      %add3A_440 = arith.constant 12 : i32
      %add3A_441 = arith.addi %mul3A_439, %add3A_440 : i32
      %mul3A_442 = arith.constant 32 : i32
      %mul3A_443 = arith.muli %add3A_441, %mul3A_442 : i32
      %add3A_444 = arith.constant 0 : i32
      %add3A_445 = arith.addi %mul3A_443, %add3A_444 : i32
      %swap3A_446 = arith.index_cast %add3A_445 : i32 to index
      %swap3A_447 = tpu.vector_load %arg6[%swap3A_446] {strides = array<i32>} : memref<16384xi32, #tpu.memory_space<vmem>>, vector<16xi32>,
      %swap3A_448 = vector.shape_cast %swap3A_447 : vector<16xi32> to vector<16xi32>
      %swap3A_449 = vector.shape_cast %add3A_437 : vector<16xi32> to vector<16xi32>
      tpu.vector_store %arg6[%swap3A_446], %swap3A_449 {strides = array<i32>} : memref<16384xi32, #tpu.memory_space<vmem>>, vector<16xi32>,
      %add3A_450 = arith.constant 16 : i32
      %add3A_451 = arith.addi %squeeze3A_433, %add3A_450 : i32
      %add3A_452 = vector.broadcast %add3A_451 : i32 to vector<16xi32>
      %add3A_453 = arith.addi %add3A_452, %iota3A : vector<16xi32>
      %mul3A_454 = arith.constant 16 : i32
      %mul3A_455 = arith.muli %add3A_19, %mul3A_454 : i32
      %add3A_456 = arith.constant 12 : i32
      %add3A_457 = arith.addi %mul3A_455, %add3A_456 : i32
      %mul3A_458 = arith.constant 32 : i32
      %mul3A_459 = arith.muli %add3A_457, %mul3A_458 : i32
      %add3A_460 = arith.constant 16 : i32
      %add3A_461 = arith.addi %mul3A_459, %add3A_460 : i32
      %swap3A_462 = arith.index_cast %add3A_461 : i32 to index
      %swap3A_463 = tpu.vector_load %arg6[%swap3A_462] {strides = array<i32>} : memref<16384xi32, #tpu.memory_space<vmem>>, vector<16xi32>,
      %swap3A_464 = vector.shape_cast %swap3A_463 : vector<16xi32> to vector<16xi32>
      %swap3A_465 = vector.shape_cast %add3A_453 : vector<16xi32> to vector<16xi32>
      tpu.vector_store %arg6[%swap3A_462], %swap3A_465 {strides = array<i32>} : memref<16384xi32, #tpu.memory_space<vmem>>, vector<16xi32>,
      %slice3A_466 = vector.extract_strided_slice %mul3A_26 {offsets = [13], sizes = [1], strides = [1]} : vector<16xi32> to vector<1xi32>
      %squeeze3A_467 = vector.extract %slice3A_466[0] : i32 from vector<1xi32>
      %add3A_468 = arith.constant 0 : i32
      %add3A_469 = arith.addi %squeeze3A_467, %add3A_468 : i32
      %add3A_470 = vector.broadcast %add3A_469 : i32 to vector<16xi32>
      %add3A_471 = arith.addi %add3A_470, %iota3A : vector<16xi32>
      %mul3A_472 = arith.constant 16 : i32
      %mul3A_473 = arith.muli %add3A_19, %mul3A_472 : i32
      %add3A_474 = arith.constant 13 : i32
      %add3A_475 = arith.addi %mul3A_473, %add3A_474 : i32
      %mul3A_476 = arith.constant 32 : i32
      %mul3A_477 = arith.muli %add3A_475, %mul3A_476 : i32
      %add3A_478 = arith.constant 0 : i32
      %add3A_479 = arith.addi %mul3A_477, %add3A_478 : i32
      %swap3A_480 = arith.index_cast %add3A_479 : i32 to index
      %swap3A_481 = tpu.vector_load %arg6[%swap3A_480] {strides = array<i32>} : memref<16384xi32, #tpu.memory_space<vmem>>, vector<16xi32>,
      %swap3A_482 = vector.shape_cast %swap3A_481 : vector<16xi32> to vector<16xi32>
      %swap3A_483 = vector.shape_cast %add3A_471 : vector<16xi32> to vector<16xi32>
      tpu.vector_store %arg6[%swap3A_480], %swap3A_483 {strides = array<i32>} : memref<16384xi32, #tpu.memory_space<vmem>>, vector<16xi32>,
      %add3A_484 = arith.constant 16 : i32
      %add3A_485 = arith.addi %squeeze3A_467, %add3A_484 : i32
      %add3A_486 = vector.broadcast %add3A_485 : i32 to vector<16xi32>
      %add3A_487 = arith.addi %add3A_486, %iota3A : vector<16xi32>
      %mul3A_488 = arith.constant 16 : i32
      %mul3A_489 = arith.muli %add3A_19, %mul3A_488 : i32
      %add3A_490 = arith.constant 13 : i32
      %add3A_491 = arith.addi %mul3A_489, %add3A_490 : i32
      %mul3A_492 = arith.constant 32 : i32
      %mul3A_493 = arith.muli %add3A_491, %mul3A_492 : i32
      %add3A_494 = arith.constant 16 : i32
      %add3A_495 = arith.addi %mul3A_493, %add3A_494 : i32
      %swap3A_496 = arith.index_cast %add3A_495 : i32 to index
      %swap3A_497 = tpu.vector_load %arg6[%swap3A_496] {strides = array<i32>} : memref<16384xi32, #tpu.memory_space<vmem>>, vector<16xi32>,
      %swap3A_498 = vector.shape_cast %swap3A_497 : vector<16xi32> to vector<16xi32>
      %swap3A_499 = vector.shape_cast %add3A_487 : vector<16xi32> to vector<16xi32>
      tpu.vector_store %arg6[%swap3A_496], %swap3A_499 {strides = array<i32>} : memref<16384xi32, #tpu.memory_space<vmem>>, vector<16xi32>,
      %slice3A_500 = vector.extract_strided_slice %mul3A_26 {offsets = [14], sizes = [1], strides = [1]} : vector<16xi32> to vector<1xi32>
      %squeeze3A_501 = vector.extract %slice3A_500[0] : i32 from vector<1xi32>
      %add3A_502 = arith.constant 0 : i32
      %add3A_503 = arith.addi %squeeze3A_501, %add3A_502 : i32
      %add3A_504 = vector.broadcast %add3A_503 : i32 to vector<16xi32>
      %add3A_505 = arith.addi %add3A_504, %iota3A : vector<16xi32>
      %mul3A_506 = arith.constant 16 : i32
      %mul3A_507 = arith.muli %add3A_19, %mul3A_506 : i32
      %add3A_508 = arith.constant 14 : i32
      %add3A_509 = arith.addi %mul3A_507, %add3A_508 : i32
      %mul3A_510 = arith.constant 32 : i32
      %mul3A_511 = arith.muli %add3A_509, %mul3A_510 : i32
      %add3A_512 = arith.constant 0 : i32
      %add3A_513 = arith.addi %mul3A_511, %add3A_512 : i32
      %swap3A_514 = arith.index_cast %add3A_513 : i32 to index
      %swap3A_515 = tpu.vector_load %arg6[%swap3A_514] {strides = array<i32>} : memref<16384xi32, #tpu.memory_space<vmem>>, vector<16xi32>,
      %swap3A_516 = vector.shape_cast %swap3A_515 : vector<16xi32> to vector<16xi32>
      %swap3A_517 = vector.shape_cast %add3A_505 : vector<16xi32> to vector<16xi32>
      tpu.vector_store %arg6[%swap3A_514], %swap3A_517 {strides = array<i32>} : memref<16384xi32, #tpu.memory_space<vmem>>, vector<16xi32>,
      %add3A_518 = arith.constant 16 : i32
      %add3A_519 = arith.addi %squeeze3A_501, %add3A_518 : i32
      %add3A_520 = vector.broadcast %add3A_519 : i32 to vector<16xi32>
      %add3A_521 = arith.addi %add3A_520, %iota3A : vector<16xi32>
      %mul3A_522 = arith.constant 16 : i32
      %mul3A_523 = arith.muli %add3A_19, %mul3A_522 : i32
      %add3A_524 = arith.constant 14 : i32
      %add3A_525 = arith.addi %mul3A_523, %add3A_524 : i32
      %mul3A_526 = arith.constant 32 : i32
      %mul3A_527 = arith.muli %add3A_525, %mul3A_526 : i32
      %add3A_528 = arith.constant 16 : i32
      %add3A_529 = arith.addi %mul3A_527, %add3A_528 : i32
      %swap3A_530 = arith.index_cast %add3A_529 : i32 to index
      %swap3A_531 = tpu.vector_load %arg6[%swap3A_530] {strides = array<i32>} : memref<16384xi32, #tpu.memory_space<vmem>>, vector<16xi32>,
      %swap3A_532 = vector.shape_cast %swap3A_531 : vector<16xi32> to vector<16xi32>
      %swap3A_533 = vector.shape_cast %add3A_521 : vector<16xi32> to vector<16xi32>
      tpu.vector_store %arg6[%swap3A_530], %swap3A_533 {strides = array<i32>} : memref<16384xi32, #tpu.memory_space<vmem>>, vector<16xi32>,
      %slice3A_534 = vector.extract_strided_slice %mul3A_26 {offsets = [15], sizes = [1], strides = [1]} : vector<16xi32> to vector<1xi32>
      %squeeze3A_535 = vector.extract %slice3A_534[0] : i32 from vector<1xi32>
      %add3A_536 = arith.constant 0 : i32
      %add3A_537 = arith.addi %squeeze3A_535, %add3A_536 : i32
      %add3A_538 = vector.broadcast %add3A_537 : i32 to vector<16xi32>
      %add3A_539 = arith.addi %add3A_538, %iota3A : vector<16xi32>
      %mul3A_540 = arith.constant 16 : i32
      %mul3A_541 = arith.muli %add3A_19, %mul3A_540 : i32
      %add3A_542 = arith.constant 15 : i32
      %add3A_543 = arith.addi %mul3A_541, %add3A_542 : i32
      %mul3A_544 = arith.constant 32 : i32
      %mul3A_545 = arith.muli %add3A_543, %mul3A_544 : i32
      %add3A_546 = arith.constant 0 : i32
      %add3A_547 = arith.addi %mul3A_545, %add3A_546 : i32
      %swap3A_548 = arith.index_cast %add3A_547 : i32 to index
      %swap3A_549 = tpu.vector_load %arg6[%swap3A_548] {strides = array<i32>} : memref<16384xi32, #tpu.memory_space<vmem>>, vector<16xi32>,
      %swap3A_550 = vector.shape_cast %swap3A_549 : vector<16xi32> to vector<16xi32>
      %swap3A_551 = vector.shape_cast %add3A_539 : vector<16xi32> to vector<16xi32>
      tpu.vector_store %arg6[%swap3A_548], %swap3A_551 {strides = array<i32>} : memref<16384xi32, #tpu.memory_space<vmem>>, vector<16xi32>,
      %add3A_552 = arith.constant 16 : i32
      %add3A_553 = arith.addi %squeeze3A_535, %add3A_552 : i32
      %add3A_554 = vector.broadcast %add3A_553 : i32 to vector<16xi32>
      %add3A_555 = arith.addi %add3A_554, %iota3A : vector<16xi32>
      %mul3A_556 = arith.constant 16 : i32
      %mul3A_557 = arith.muli %add3A_19, %mul3A_556 : i32
      %add3A_558 = arith.constant 15 : i32
      %add3A_559 = arith.addi %mul3A_557, %add3A_558 : i32
      %mul3A_560 = arith.constant 32 : i32
      %mul3A_561 = arith.muli %add3A_559, %mul3A_560 : i32
      %add3A_562 = arith.constant 16 : i32
      %add3A_563 = arith.addi %mul3A_561, %add3A_562 : i32
      %swap3A_564 = arith.index_cast %add3A_563 : i32 to index
      %swap3A_565 = tpu.vector_load %arg6[%swap3A_564] {strides = array<i32>} : memref<16384xi32, #tpu.memory_space<vmem>>, vector<16xi32>,
      %swap3A_566 = vector.shape_cast %swap3A_565 : vector<16xi32> to vector<16xi32>
      %swap3A_567 = vector.shape_cast %add3A_555 : vector<16xi32> to vector<16xi32>
      tpu.vector_store %arg6[%swap3A_564], %swap3A_567 {strides = array<i32>} : memref<16384xi32, #tpu.memory_space<vmem>>, vector<16xi32>,
    }
    %scan3A_8 = arith.constant 32 : i32
    %dma_start3A_9 = arith.constant 0 : i32
    %dma_start3A_10 = tpu.memref_slice %arg2[%dma_start3A_9] : memref<32000000xf32, #tpu.memory_space<hbm>> -> memref<32000000xf32, #tpu.memory_space<hbm>>
    tpu.enqueue_indirect_dma source(%dma_start3A_10 : memref<32000000xf32, #tpu.memory_space<hbm>>) target(%arg7 : memref<16384xf32, #tpu.memory_space<vmem>>) offsets(%arg6 : memref<16384xi32, #tpu.memory_space<vmem>>) semaphore(%arg9 : memref<!tpu.dma_semaphore, #tpu.memory_space<semaphore_mem>>)
    %dma_wait3A_11 = arith.constant 0 : i32
    %dma_wait3A_12 = tpu.memref_slice %arg2[%dma_wait3A_11] : memref<32000000xf32, #tpu.memory_space<hbm>> -> memref<32000000xf32, #tpu.memory_space<hbm>>
    tpu.wait_indirect_dma semaphore(%arg9 : memref<!tpu.dma_semaphore, #tpu.memory_space<semaphore_mem>>) src(%dma_wait3A_12 : memref<32000000xf32, #tpu.memory_space<hbm>>) dst(%arg7 : memref<16384xf32, #tpu.memory_space<vmem>>)
    %mul3A_13 = arith.constant 32 : i32
    %mul3A_14 = arith.muli %mul3A_2, %mul3A_13 : i32
    "tpu.region"() ({
      %run_scoped3A = tpu.sem_alloc : memref<!tpu.dma_semaphore, #tpu.memory_space<semaphore_mem>>
      %dma_start3A_15 = tpu.memref_slice %arg4[%mul3A_14] : memref<524288xf32, #tpu.memory_space<hbm>> -> memref<16384xf32, #tpu.memory_space<hbm>>
      %dma_start3A_16 = tpu.memref_slice %arg4[%mul3A_14] : memref<524288xf32, #tpu.memory_space<hbm>> -> memref<16384xf32, #tpu.memory_space<hbm>>
      tpu.enqueue_dma source(%arg7 : memref<16384xf32, #tpu.memory_space<vmem>>) target(%dma_start3A_16 : memref<16384xf32, #tpu.memory_space<hbm>>) target_semaphore(%run_scoped3A : memref<!tpu.dma_semaphore, #tpu.memory_space<semaphore_mem>>)
      %dma_wait3A_17 = tpu.memref_slice %arg4[%mul3A_14] : memref<524288xf32, #tpu.memory_space<hbm>> -> memref<16384xf32, #tpu.memory_space<hbm>>
      %dma_wait3A_18 = tpu.memref_slice %arg4[%mul3A_14] : memref<524288xf32, #tpu.memory_space<hbm>> -> memref<16384xf32, #tpu.memory_space<hbm>>
      tpu.wait_dma2 semaphore(%run_scoped3A : memref<!tpu.dma_semaphore, #tpu.memory_space<semaphore_mem>>) src(%arg7 : memref<16384xf32, #tpu.memory_space<vmem>>) dst(%dma_wait3A_18 : memref<16384xf32, #tpu.memory_space<hbm>>)
      tpu.yield
    }) : () -> ()
    return
  }
}

</mosaic_0001>

<sc_bundles>
// kernel: kernel.3.cloned.1.call-start
scs
__scs_entry_jumppad:
0x0: {  	(pc) =	sbr.rel $0x88, $3  }
0x1: {  	(tag) =	ssettag $0x0;
	lr =	simm.s32 $0x1  }
0x2: {  	[smem:$0x3F9F] =	sst lr;
	_ =	strace $0xD0000000  }
0x3: {  	_ = 	snop  }
0x4: {  	_ = 	snop  }
0x5: {  	_ = 	snop  }
0x6: {  	_ = 	snop  }
0x7: {  	_ = 	snop  }
__scs_overlays_trampoline_lowered:
0x8: {  	[smem:$0x3FAE] =	sst s0  }
0x9: {  	[smem:$0x3FAF] =	sst s1  }
0xa: {  	[smem:$0x3FB0] =	sst s2  }
0xb: {  	[smem:$0x3FB1] =	sst s3  }
0xc: {  	[smem:$0x3FB2] =	sst s4  }
0xd: {  	[smem:$0x3FB3] =	sst s5  }
0xe: {  	[smem:$0x3FB4] =	sst s6  }
0xf: {  	[smem:$0x3FB5] =	sst s7  }
0x10: {  	[smem:$0x3FB6] =	sst s8  }
0x11: {  	[smem:$0x3FB7] =	sst s9;
	s0 =	simm.s32 @!p0 $0x0  }
0x12: {  	s1 =	sld [smem:$0x3F9D];
	s0 =	simm.s32 @p0 $0x1  }
0x13: {  	[smem:$0x3FB8] =	sst s0;
	s0 =	simm.s32 @!p1 $0x0  }
0x14: {  	s2 =	sld [smem:$0x3F9C];
	s0 =	simm.s32 @p1 $0x1  }
0x15: {  	[smem:$0x3FB9] =	sst s0;
	s0 =	simm.s32 @!p2 $0x0  }
0x16: {  	s3 =	sld [smem:$0x3FDB];
	s0 =	simm.s32 @p2 $0x1  }
0x17: {  	s4 =	simm.s32 $0x1BF5;
	[smem:$0x3FBB] =	sst s0  }
0x18: {  	s0 =	sld [smem:$0x3F9E];
	_ =	swait.ge [sflag:s4], $0x0  }
0x19: {  	s7 =	sld [smem:$0x3F9F]  }
0x1a: {  	s8 =	sadd.s32 $0xFFFFE003, lr  }
0x1b: {  	s9 =	sadd.s32 $0xFFFFFEF7, lr;
	s5 =	simm.s32 $0xFFFFFFFF;
	p2 =	slt.u32 s8, $0xFFFFF086  }
0x1c: {  	p1 =	slt.u32 s9, $0xF7A;
	s5 =	simm.s32 @!p2 $0x0  }
0x1d: {  	s5 =	simm.s32 @p1 $0x1;
	p0 =	seq.s32 s7, s2  }
0x1e: {  	s7 =	smul.u32 @!p0 $0xF7A, s2;
	p2 =	seq.s32 @!p0 s5, $0x0  }
0x1f: {  	s9 =	smul.u32 $0xF7A, s1;
	s8 =	simm.s32 @!p0 $0x1BF5;
	p2 =	por !p2, p0  }
0x20: {  	[sflag:s8] =	ssyncset.s32 @!p0 $0xFFFFF086;
	s6 =	sadd.s32 @!p0 s3, s7;
	s7 =	simm.s32 @!p0 $0x108  }
0x21: {  	s3 =	sadd.s32 s3, s9;
	s6 =	sadd.s32 @!p0 $0x88, s6;
	s7 =	simm.s32 @p2 $0x1082  }
0x22: {  	[simem:s7], [sflag:s8] =	dma.local @!p0 [hbm:s6], $0xF7A  }
0x23: {  	s9 =	sor.u32 $0xD0000000, s2;
	s6 =	simm.s32 $0x108;
	_ =	swait.ge @!p0 [sflag:s8], $0x0  }
0x24: {  	s3 =	sadd.s32 $0x88, s3;
	s6 =	simm.s32 @!p1 $0x1082;
	[sflag:s4] =	ssyncset.s32 $0xFFFFF086  }
0x25: {  	[simem:s6], [sflag:s4] =	dma.local [hbm:s3], $0xF7A  }
0x26: {  	[smem:$0x3F9F] =	sst s1;
	(tag) =	ssettag s2;
	_ =	strace s9  }
0x27: {  	s1 =	sld [smem:$0x3FAF]  }
0x28: {  	s2 =	sld [smem:$0x3FB0]  }
0x29: {  	s4 =	sld [smem:$0x3FB2]  }
0x2a: {  	p0 =	seq.s32 s5, $0x0;
	s5 =	sld [smem:$0x3FB3]  }
0x2b: {  	s6 =	sld [smem:$0x3FB4]  }
0x2c: {  	s7 =	sld [smem:$0x3FB5]  }
0x2d: {  	s3 =	simm.s32 $0x108;
	s8 =	sld [smem:$0x3FB6]  }
0x2e: {  	s3 =	simm.s32 @!p0 $0x1082;
	s9 =	sld [smem:$0x3FB7]  }
0x2f: {  	lr =	sadd.s32 s0, s3;
	s0 =	sld [smem:$0x3FAE]  }
0x30: {  	s3 =	sld [smem:$0x3FB1]  }
0x31: {  	[smem:$0x3FBA] =	sst s10  }
0x32: {  	s10 =	sld [smem:$0x3FB8];
	_ =	sdelay $0x3  }
0x33: {  	p0 =	seq.s32 s10, $0x1;
	s10 =	sld [smem:$0x3FBA];
	_ =	sdelay $0x3  }
0x34: {  	[smem:$0x3FBA] =	sst s10  }
0x35: {  	s10 =	sld [smem:$0x3FB9];
	_ =	sdelay $0x3  }
0x36: {  	p1 =	seq.s32 s10, $0x1;
	s10 =	sld [smem:$0x3FBA];
	_ =	sdelay $0x3  }
0x37: {  	[smem:$0x3FBA] =	sst s10  }
0x38: {  	s10 =	sld [smem:$0x3FBB]  }
0x39: {  	_ = 	snop;
	(pc) =	sbr.ind lr, $3  }
0x3a: {  	_ = 	snop  }
0x3b: {  	_ = 	snop  }
0x3c: {  	p2 =	seq.s32 s10, $0x1;
	s10 =	sld [smem:$0x3FBA]  }
0x3d: {  	_ =	shalt  }
0x3e: {  	_ =	shalt  }
0x3f: {  	_ =	shalt  }
0x40: {  	_ =	shalt  }
0x41: {  	_ =	shalt  }
0x42: {  	_ =	shalt  }
0x43: {  	_ =	shalt  }
0x44: {  	_ =	shalt  }
0x45: {  	_ =	shalt  }
0x46: {  	_ =	shalt  }
0x47: {  	_ =	shalt  }
0x48: {  	_ =	shalt  }
0x49: {  	_ =	shalt  }
0x4a: {  	_ =	shalt  }
0x4b: {  	_ =	shalt  }
0x4c: {  	_ =	shalt  }
0x4d: {  	_ =	shalt  }
0x4e: {  	_ =	shalt  }
0x4f: {  	_ =	shalt  }
0x50: {  	_ =	shalt  }
0x51: {  	_ =	shalt  }
0x52: {  	_ =	shalt  }
0x53: {  	_ =	shalt  }
0x54: {  	_ =	shalt  }
0x55: {  	_ =	shalt  }
0x56: {  	_ =	shalt  }
0x57: {  	_ =	shalt  }
0x58: {  	_ =	shalt  }
0x59: {  	_ =	shalt  }
0x5a: {  	_ =	shalt  }
0x5b: {  	_ =	shalt  }
0x5c: {  	_ =	shalt  }
0x5d: {  	_ =	shalt  }
0x5e: {  	_ =	shalt  }
0x5f: {  	_ =	shalt  }
0x60: {  	_ =	shalt  }
0x61: {  	_ =	shalt  }
0x62: {  	_ =	shalt  }
0x63: {  	_ =	shalt  }
0x64: {  	_ =	shalt  }
0x65: {  	_ =	shalt  }
0x66: {  	_ =	shalt  }
0x67: {  	_ =	shalt  }
0x68: {  	_ =	shalt  }
0x69: {  	_ =	shalt  }
0x6a: {  	_ =	shalt  }
0x6b: {  	_ =	shalt  }
0x6c: {  	_ =	shalt  }
0x6d: {  	_ =	shalt  }
0x6e: {  	_ =	shalt  }
0x6f: {  	_ =	shalt  }
0x70: {  	_ =	shalt  }
0x71: {  	_ =	shalt  }
0x72: {  	_ =	shalt  }
0x73: {  	_ =	shalt  }
0x74: {  	_ =	shalt  }
0x75: {  	_ =	shalt  }
0x76: {  	_ =	shalt  }
0x77: {  	_ =	shalt  }
0x78: {  	_ =	shalt  }
0x79: {  	_ =	shalt  }
0x7a: {  	_ =	shalt  }
0x7b: {  	_ =	shalt  }
0x7c: {  	_ =	shalt  }
0x7d: {  	_ =	shalt  }
0x7e: {  	_ =	shalt  }
0x7f: {  	_ =	shalt  }
0x80: {  	_ =	shalt  }
0x81: {  	_ =	shalt  }
0x82: {  	_ =	shalt  }
0x83: {  	_ =	shalt  }
0x84: {  	_ =	shalt  }
0x85: {  	_ =	shalt  }
0x86: {  	_ =	shalt  }
0x87: {  	_ =	shalt  }
.Lfunc_end0:
.L_simem_size_0:
called_computation_lowered:
.L_overlay_start_0:
0x88: {  	s2 =	sld [smem:$0x3FD9]  }
0x89: {  	s3 =	sld [smem:$0x3FFE];
	_ =	sdelay $0x1  }
0x8a: {  	s1 =	srdreg.scid  }
0x8b: {  	s0 =	sand.u32 $0x1, s1  }
0x8c: {  	s17 =	sshll.u32 s0, $0xA;
	s2 =	sadd.s32 s3, s2  }
0x8d: {  	s2 =	sadd.s32 s2, s17  }
0x8e: {  	[smem:$0x3FC6] =	sst s2  }
0x8f: {  	_ = 	snop  }
0x90: {  	s2 =	sld [smem:$0x3FC9]  }
0x91: {  	s18 =	sld [smem:$0x3FD0];
	(tm) =	ssettm $0x1  }
0x92: {  	s4 =	sld [smem:$0x3FFB];
	_ =	sdelay $0x3  }
0x93: {  	_ =	strace s4  }
0x94: {  	s4 =	sld [smem:$0x3FFC];
	_ =	sdelay $0x3  }
0x95: {  	_ =	strace s4  }
0x96: {  	s4 =	sld [smem:$0x3FFD];
	_ =	sdelay $0x3  }
0x97: {  	_ =	strace s4  }
0x98: {  	_ =	strace $0x8FFFFFFF  }
0x99: {  	s19 =	sld [smem:$0x3FDB];
	_ =	sdelay $0x1  }
0x9a: {  	s5 =	simm.s32 $_scs_section_size  }
0x9b: {  	s6 =	simm.s32 $_size__tile_overlayer_lowered;
	s7 =	simm.s32 $_tile_overlayer_lowered  }
0x9c: {  	s22 =	simm.s32 $0x1BFF;
	s21 =	sshll.u32 s7, $0x1;
	s4 =	sadd.s32 s5, s19  }
0x9d: {  	s8 =	simm.s32 $0x0;
	s20 =	sshll.u32 s6, $0x1;
	s6 =	sadd.s32 s21, s4  }
0x9e: {  	[timem:s8], [sflag:s22] =	dma.local [hbm:s6], s20  }
0x9f: {  	_ =	swait.ge [sflag:s22], s20  }
0xa0: {  	s5 =	ssub.s32 $0x0, s20;
	[sflag:s22] =	ssyncset.done $0x0  }
0xa1: {  	[sflag:s22] =	ssyncadd.s32 s5;
	_ =	sdelay $0x1  }
0xa2: {  	s23 =	simm.s32 $0x1B8B  }
0xa3: {  	_ =	swait.ge [sflag:s23], $0x1  }
0xa4: {  	[sflag:s23] =	ssyncset.done $0x0  }
0xa5: {  	s25 =	simm.s32 $0x1B8E;
	s24 =	sld [smem:$0x3FFE];
	[sflag:s23] =	ssyncadd.s32 $0xFFFFFFFF  }
0xa6: {  	s26 =	simm.s32 $execute0_lowered;
	[smem:$0x3FD2] =	sst s25  }
0xa7: {  	s6 =	sshll.u32 s26, $0x1;
	_ =	strace $0x80000046;
	[dreg:$0x1] =	wrdreg $0xFFFFFFFF  }
0xa8: {  	s28 =	simm.s32 $_size_execute0_lowered;
	s4 =	sadd.s32 s4, s6;
	[dreg:$0x0] =	wrdreg $0x0  }
0xa9: {  	s6 =	sshll.u32 s28, $0x1;
	[dreg:$0x2] =	wrdreg s4  }
0xaa: {  	[dreg:$0x3] =	wrdreg s6  }
0xab: {  	[dreg:$0x4] =	wrdreg $0xC0  }
0xac: {  	_ =	task [dreg:s8], $0x5FFFF  }
0xad: {  	[dreg:$0x1] =	wrdreg $0xFFFFFFFF  }
0xae: {  	[dreg:$0x0] =	wrdreg $0x60  }
0xaf: {  	[dreg:$0x2] =	wrdreg s24  }
0xb0: {  	[dreg:$0x3] =	wrdreg s2  }
0xb1: {  	[dreg:$0x4] =	wrdreg s18  }
0xb2: {  	[dreg:$0x5] =	wrdreg $0x9  }
0xb3: {  	_ =	task.clear_ibuf [dreg:s8], $0x6FFFF;
	_ =	strace $0x90000046  }
0xb4: {  	s29 =	simm.s32 $0x9;
	_ =	strace $0x80000048  }
0xb5: {  	_ =	swait.ge [sflag:s29], $0x1  }
0xb6: {  	[sflag:s29] =	ssyncadd.s32 $0xFFFFFFFF  }
0xb7: {  	_ =	strace $0x90000048  }
0xb8: {  	_ =	sfence  }
0xb9: {  	s30 =	sld [smem:$0x0];
	_ =	sdelay $0x2  }
0xba: {  	s31 =	sshll.u32 s1, $0xD;
	s1 =	sshrl.u32 s1, $0x2  }
0xbb: {  	s3 =	sand.u32 $0x4000, s31;
	s1 =	sadd.s32 s1, s30  }
0xbc: {  	s0 =	sor.u32 s3, s0;
	s1 =	sshll.u32 s1, $0x11  }
0xbd: {  	s0 =	sor.u32 s1, s0  }
0xbe: {  	s0 =	sadd.s32 $0x8F2B, s0  }
0xbf: {  	[sflag:s0] =	ssyncadd.remote.s32 $0x1  }
0xc0: {  	_ =	sfence.sel $0xFFFF  }
0xc1: {  	[dreg:$0x0] =	wrdreg $0xFFFFFFFF;
	(pc) =	sbr.abs _section_cstart, $3  }
0xc2: {  	[dreg:$0x1] =	wrdreg $0xFFFFFFFF  }
0xc3: {  	_ =	task.clear_ibuf [dreg:s8], $0x2FFFF;
	_ =	strace $0x9FFFFFFF  }
0xc4: {  	(tm) =	ssettm $0x7FFFFFFF  }
0xc5: {  	_ =	shalt  }
tec
execute0_lowered:
.L_overlay_start_1:
0x0: {  	(tag) =	ssettag $0x1  }
0x1: {  	s3 =	rddreg [dreg:$0x0]  }
0x2: {  	s4 =	rddreg [dreg:$0x1]  }
0x3: {  	s5 =	rddreg [dreg:$0x2]  }
0x4: {  	s0 =	rddreg [dreg:$0x3]  }
0x5: {  	s2 =	simm.s32 $0x0;
	s6 =	srdreg.scid;
	s1 =	stileid.u32  }
0x6: {  	s10 =	simm.s32 $0x4200;
	s11 =	simm.s32 $0x2;
	s12 =	simm.s32 $0x3  }
0x7: {  	s13 =	simm.s32 $0x0;
	[smem:$0x7FF] =	sst s2;
	s6 =	sand.u32 $0x1, s6  }
0x8: {  	s7 =	sshll.u32 s1, $0x1;
	s3 =	sadd.s32 $0xF42800, s3;
	s8 =	ssub.s32 $0x2, s6  }
0x9: {  	_ =	strace $0x80000047;
	s6 =	sor.u32 s6, s7;
	s31 =	sshrl.u32 s8, $0x1  }
0xa: {  	s9 =	sshll.u32 s6, $0x6;
	s6 =	sshll.u32 s6, $0xB;
	s7 =	ssub.s32 s8, s31  }
0xb: {  	s4 =	sadd.s32 s4, s9;
	s5 =	sadd.s32 s5, s6;
	s8 =	simm.s32 $0x4000  }
0xc: {  	v0 =	vlaneseq.u32;
	s9 =	simm.s32 $0x200;
	s6 =	smax.u32 s7, $0x1;
	s7 =	simm.s32 $0x1  }
.LBB2_1:
0xd: {  	[tilespmem:s2], [sflag:$0x1] =	stream.linear.gather [hbm4b:s4+s2], $0x200, $0x38;
	[tilespmem:$0x8200] =	vst v63  }
0xe: {  	_ =	swait.ge [sflag:s7], $0x200  }
0xf: {  	[sflag:s7] =	ssyncset.done $0x0  }
0x10: {  	s14 =	simm.s32 $0x0;
	[sflag:s7] =	ssyncadd.s32 $0xFFFFFE00  }
0x11: {  	v1 =	vld [tilespmem:s14+$0x0];
	_ =	sdelay $0x4  }
0x12: {  	v1 =	vshll.u32 v1, $0x5  }
0x13: {  	v2 =	vbroadcast v1, $0x0;
	(v2sf) =	vpush v1, $0x0  }
0x14: {  	v3 =	vbroadcast v1, $0x1  }
0x15: {  	s14 =	simm.s32 $0x300;
	v5 =	vbroadcast v1, $0x3;
	(v2sf) =	vpush v1, $0x1;
	v2 =	vor.u32 v0, v2  }
0x16: {  	v58 =	vbroadcast v1, $0x5;
	(v2sf) =	vpush v1, $0x2;
	v3 =	vor.u32 v0, v3;
	[tilespmem:s14+$0xFFFFFF00] =	vst v2  }
0x17: {  	v62 =	vbroadcast v1, $0xD;
	v57 =	vor.u32 v0, v5;
	(v2sf) =	vpush v1, $0x3;
	[tilespmem:s14+$0xFFFFFF20] =	vst v3  }
0x18: {  	v4 =	vbroadcast v1, $0x2;
	v5 =	vor.u32 v0, v58;
	[tilespmem:s14+$0xFFFFFF60] =	vst v57;
	(v2sf) =	vpush v1, $0x4  }
0x19: {  	v59 =	vbroadcast v1, $0x7;
	v63 =	vor.u32 v0, v62;
	[tilespmem:s14+$0xFFFFFFA0] =	vst v5;
	(v2sf) =	vpush v1, $0x5  }
0x1a: {  	v2 =	vor.u32 v0, v4;
	v3 =	vbroadcast v1, $0x4;
	[tilespmem:s14+$0xA0] =	vst v63;
	(v2sf) =	vpush v1, $0x6  }
0x1b: {  	v4 =	vor.u32 v0, v59;
	[tilespmem:s14+$0xFFFFFF40] =	vst v2;
	v2 =	vbroadcast v1, $0x6;
	(v2sf) =	vpush v1, $0x7  }
0x1c: {  	v60 =	vbroadcast v1, $0x9;
	[tilespmem:s14+$0xFFFFFFE0] =	vst v4;
	v3 =	vor.u32 v0, v3;
	(v2sf) =	vpush v1, $0x8  }
0x1d: {  	[tilespmem:s14+$0xFFFFFF80] =	vst v3;
	v2 =	vor.u32 v0, v2;
	v3 =	vbroadcast v1, $0x8;
	(v2sf) =	vpush v1, $0x9  }
0x1e: {  	v5 =	vor.u32 v0, v60;
	[tilespmem:s14+$0xFFFFFFC0] =	vst v2;
	v2 =	vbroadcast v1, $0xA;
	(v2sf) =	vpush v1, $0xA  }
0x1f: {  	v61 =	vbroadcast v1, $0xB;
	[tilespmem:s14+$0x20] =	vst v5;
	v3 =	vor.u32 v0, v3;
	(v2sf) =	vpush v1, $0xB  }
0x20: {  	[tilespmem:s14+$0x0] =	vst v3;
	v2 =	vor.u32 v0, v2;
	v3 =	vbroadcast v1, $0xC;
	(v2sf) =	vpush v1, $0xC  }
0x21: {  	v4 =	vor.u32 v0, v61;
	[tilespmem:s14+$0x40] =	vst v2;
	v2 =	vbroadcast v1, $0xE;
	(v2sf) =	vpush v1, $0xD  }
0x22: {  	[tilespmem:s14+$0x60] =	vst v4;
	v3 =	vor.u32 v0, v3;
	(v2sf) =	vpush v1, $0xE;
	s15 =	spop (v2sf)  }
0x23: {  	[tilespmem:s14+$0x80] =	vst v3;
	v2 =	vor.u32 v0, v2;
	(v2sf) =	vpush v1, $0xF;
	v1 =	vbroadcast v1, $0xF;
	s15 =	sor.u32 $0x10, s15  }
0x24: {  	[tilespmem:s14+$0xC0] =	vst v2;
	s16 =	spop (v2sf);
	v3 =	vor.u32 s15, v0  }
0x25: {  	s17 =	sor.u32 $0x10, s16;
	s18 =	spop (v2sf);
	v1 =	vor.u32 v0, v1;
	[tilespmem:s14+$0xFFFFFF10] =	vst v3  }
0x26: {  	v2 =	vor.u32 s17, v0;
	s19 =	sor.u32 $0x10, s18;
	s20 =	spop (v2sf);
	[tilespmem:s14+$0xE0] =	vst v1  }
0x27: {  	[tilespmem:s14+$0xFFFFFF30] =	vst v2;
	v2 =	vor.u32 s19, v0;
	s21 =	sor.u32 $0x10, s20;
	s22 =	spop (v2sf)  }
0x28: {  	[tilespmem:s14+$0xFFFFFF50] =	vst v2;
	v2 =	vor.u32 s21, v0;
	s23 =	sor.u32 $0x10, s22;
	s24 =	spop (v2sf)  }
0x29: {  	[tilespmem:s14+$0xFFFFFF70] =	vst v2;
	v2 =	vor.u32 s23, v0;
	s25 =	sor.u32 $0x10, s24;
	s26 =	spop (v2sf)  }
0x2a: {  	[tilespmem:s14+$0xFFFFFF90] =	vst v2;
	v2 =	vor.u32 s25, v0;
	s28 =	sor.u32 $0x10, s26;
	s29 =	spop (v2sf)  }
0x2b: {  	[tilespmem:s14+$0xFFFFFFB0] =	vst v2;
	v2 =	vor.u32 s28, v0;
	s30 =	sor.u32 $0x10, s29;
	s31 =	spop (v2sf)  }
0x2c: {  	[tilespmem:s14+$0xFFFFFFD0] =	vst v2;
	v2 =	vor.u32 s30, v0;
	s16 =	sor.u32 $0x10, s31;
	s17 =	spop (v2sf)  }
0x2d: {  	[tilespmem:s14+$0xFFFFFFF0] =	vst v2;
	v2 =	vor.u32 s16, v0;
	s18 =	sor.u32 $0x10, s17;
	s19 =	spop (v2sf)  }
0x2e: {  	[tilespmem:s14+$0x10] =	vst v2;
	v2 =	vor.u32 s18, v0;
	s20 =	sor.u32 $0x10, s19;
	s21 =	spop (v2sf)  }
0x2f: {  	[tilespmem:s14+$0x30] =	vst v2;
	v2 =	vor.u32 s20, v0;
	s22 =	sor.u32 $0x10, s21;
	s23 =	spop (v2sf)  }
0x30: {  	[tilespmem:s14+$0x50] =	vst v2;
	v2 =	vor.u32 s22, v0;
	s24 =	sor.u32 $0x10, s23;
	s25 =	spop (v2sf)  }
0x31: {  	[tilespmem:s14+$0x70] =	vst v2;
	v2 =	vor.u32 s24, v0;
	s26 =	sor.u32 $0x10, s25;
	s28 =	spop (v2sf)  }
0x32: {  	[tilespmem:s14+$0x90] =	vst v2;
	v2 =	vor.u32 s26, v0;
	s29 =	sor.u32 $0x10, s28;
	s30 =	spop (v2sf)  }
0x33: {  	[tilespmem:s14+$0xB0] =	vst v2;
	v2 =	vor.u32 s29, v0;
	s31 =	sor.u32 $0x10, s30  }
0x34: {  	[tilespmem:s14+$0xD0] =	vst v2;
	v2 =	vor.u32 s31, v0  }
0x35: {  	s15 =	simm.s32 $0x80;
	s16 =	simm.s32 $0x10;
	[tilespmem:s14+$0xF0] =	vst v2  }
.LBB2_2:
0x36: {  	p0 =	sne.s32 s15, $0x7C0;
	v1 =	vld [tilespmem:s16+$0x0];
	_ =	sdelay $0x4  }
0x37: {  	v1 =	vshll.u32 v1, $0x5  }
0x38: {  	v2 =	vbroadcast v1, $0x0;
	v3 =	vbroadcast v1, $0x1;
	(v2sf) =	vpush v1, $0x0  }
0x39: {  	v4 =	vbroadcast v1, $0x2;
	v5 =	vbroadcast v1, $0x3;
	(v2sf) =	vpush v1, $0x1  }
0x3a: {  	s14 =	sadd.s32 $0x200, s14;
	v2 =	vor.u32 v0, v2;
	v3 =	vor.u32 v0, v3;
	(v2sf) =	vpush v1, $0x2  }
0x3b: {  	[tilespmem:s14+$0xFFFFFF00] =	vst v2;
	v2 =	vor.u32 v0, v4;
	v4 =	vor.u32 v0, v5;
	(v2sf) =	vpush v1, $0x3  }
0x3c: {  	v5 =	vbroadcast v1, $0x5;
	[tilespmem:s14+$0xFFFFFF20] =	vst v3;
	v3 =	vbroadcast v1, $0x4;
	(v2sf) =	vpush v1, $0x4  }
0x3d: {  	v6 =	vbroadcast v1, $0x7;
	[tilespmem:s14+$0xFFFFFF40] =	vst v2;
	v2 =	vbroadcast v1, $0x6;
	(v2sf) =	vpush v1, $0x5  }
0x3e: {  	[tilespmem:s14+$0xFFFFFF60] =	vst v4;
	v3 =	vor.u32 v0, v3;
	v4 =	vor.u32 v0, v5;
	(v2sf) =	vpush v1, $0x6  }
0x3f: {  	[tilespmem:s14+$0xFFFFFF80] =	vst v3;
	v2 =	vor.u32 v0, v2;
	v3 =	vor.u32 v0, v6;
	(v2sf) =	vpush v1, $0x7  }
0x40: {  	v5 =	vbroadcast v1, $0x9;
	[tilespmem:s14+$0xFFFFFFA0] =	vst v4;
	v4 =	vbroadcast v1, $0x8;
	(v2sf) =	vpush v1, $0x8  }
0x41: {  	v6 =	vbroadcast v1, $0xB;
	[tilespmem:s14+$0xFFFFFFC0] =	vst v2;
	v2 =	vbroadcast v1, $0xA;
	(v2sf) =	vpush v1, $0x9  }
0x42: {  	[tilespmem:s14+$0xFFFFFFE0] =	vst v3;
	v3 =	vor.u32 v0, v4;
	v4 =	vor.u32 v0, v5;
	(v2sf) =	vpush v1, $0xA  }
0x43: {  	[tilespmem:s14+$0x0] =	vst v3;
	v2 =	vor.u32 v0, v2;
	v3 =	vor.u32 v0, v6;
	(v2sf) =	vpush v1, $0xB  }
0x44: {  	v5 =	vbroadcast v1, $0xD;
	[tilespmem:s14+$0x20] =	vst v4;
	v4 =	vbroadcast v1, $0xC;
	(v2sf) =	vpush v1, $0xC  }
0x45: {  	v6 =	vbroadcast v1, $0xF;
	[tilespmem:s14+$0x40] =	vst v2;
	v2 =	vbroadcast v1, $0xE;
	(v2sf) =	vpush v1, $0xD  }
0x46: {  	[tilespmem:s14+$0x60] =	vst v3;
	v3 =	vor.u32 v0, v4;
	v4 =	vor.u32 v0, v5;
	(v2sf) =	vpush v1, $0xE  }
0x47: {  	[tilespmem:s14+$0x80] =	vst v3;
	v2 =	vor.u32 v0, v2;
	v3 =	vor.u32 v0, v6;
	s16 =	spop (v2sf);
	(v2sf) =	vpush v1, $0xF  }
0x48: {  	s16 =	sor.u32 $0x10, s16;
	[tilespmem:s14+$0xA0] =	vst v4;
	s17 =	spop (v2sf)  }
0x49: {  	v1 =	vor.u32 s16, v0;
	s16 =	sor.u32 $0x10, s17;
	[tilespmem:s14+$0xC0] =	vst v2;
	s17 =	spop (v2sf)  }
0x4a: {  	[tilespmem:s14+$0xFFFFFF10] =	vst v1;
	v1 =	vor.u32 s16, v0;
	s16 =	sor.u32 $0x10, s17;
	s17 =	spop (v2sf)  }
0x4b: {  	[tilespmem:s14+$0xFFFFFF30] =	vst v1;
	v1 =	vor.u32 s16, v0;
	s16 =	sor.u32 $0x10, s17;
	s17 =	spop (v2sf)  }
0x4c: {  	[tilespmem:s14+$0xFFFFFF50] =	vst v1;
	v1 =	vor.u32 s16, v0;
	s16 =	sor.u32 $0x10, s17;
	s17 =	spop (v2sf)  }
0x4d: {  	[tilespmem:s14+$0xFFFFFF70] =	vst v1;
	v1 =	vor.u32 s16, v0;
	s16 =	sor.u32 $0x10, s17;
	s17 =	spop (v2sf)  }
0x4e: {  	[tilespmem:s14+$0xFFFFFF90] =	vst v1;
	v1 =	vor.u32 s16, v0;
	s16 =	sor.u32 $0x10, s17;
	s17 =	spop (v2sf)  }
0x4f: {  	[tilespmem:s14+$0xFFFFFFB0] =	vst v1;
	v1 =	vor.u32 s16, v0;
	s16 =	sor.u32 $0x10, s17;
	s17 =	spop (v2sf)  }
0x50: {  	[tilespmem:s14+$0xFFFFFFD0] =	vst v1;
	v1 =	vor.u32 s16, v0;
	s16 =	sor.u32 $0x10, s17;
	s17 =	spop (v2sf)  }
0x51: {  	[tilespmem:s14+$0xFFFFFFF0] =	vst v1;
	v1 =	vor.u32 s16, v0;
	s16 =	sor.u32 $0x10, s17;
	s17 =	spop (v2sf)  }
0x52: {  	[tilespmem:s14+$0x10] =	vst v1;
	v1 =	vor.u32 s16, v0;
	s16 =	sor.u32 $0x10, s17;
	s17 =	spop (v2sf)  }
0x53: {  	[tilespmem:s14+$0x30] =	vst v1;
	v1 =	vor.u32 s16, v0;
	s16 =	sor.u32 $0x10, s17;
	s17 =	spop (v2sf)  }
0x54: {  	[tilespmem:s14+$0x50] =	vst v1;
	v1 =	vor.u32 s16, v0;
	s16 =	sor.u32 $0x10, s17;
	s17 =	spop (v2sf)  }
0x55: {  	[tilespmem:s14+$0x70] =	vst v1;
	v1 =	vor.u32 s16, v0;
	s16 =	sor.u32 $0x10, s17;
	s17 =	spop (v2sf)  }
.Ltmp0:
0x56: {  	[tilespmem:s14+$0x90] =	vst v1;
	v1 =	vor.u32 s16, v0;
	s16 =	sor.u32 $0x10, s17;
	s17 =	spop (v2sf);
	(pc) =	sbr.rel @p0 .LBB2_2-.Ltmp0, $4  }
0x57: {  	[tilespmem:s14+$0xB0] =	vst v1;
	v1 =	vor.u32 s16, v0;
	s16 =	sor.u32 $0x10, s17  }
0x58: {  	[tilespmem:s14+$0xD0] =	vst v1;
	v1 =	vor.u32 s16, v0  }
0x59: {  	[tilespmem:s14+$0xF0] =	vst v1  }
0x5a: {  	s16 =	sshra.s32 s15, $0x2;
	s15 =	sadd.s32 $0x40, s15;
	[tilespmem:s14+$0xE0] =	vst v3  }
0x5b: {  	v1 =	vld [tilespmem:s16+$0x0];
	_ =	sdelay $0x4  }
0x5c: {  	v1 =	vshll.u32 v1, $0x5  }
0x5d: {  	v2 =	vbroadcast v1, $0x0;
	(v2sf) =	vpush v1, $0x0  }
0x5e: {  	v3 =	vbroadcast v1, $0x1  }
0x5f: {  	s14 =	sadd.s32 $0x200, s14;
	v5 =	vbroadcast v1, $0x3;
	(v2sf) =	vpush v1, $0x1;
	v2 =	vor.u32 v0, v2  }
0x60: {  	v58 =	vbroadcast v1, $0x5;
	(v2sf) =	vpush v1, $0x2;
	v3 =	vor.u32 v0, v3;
	[tilespmem:s14+$0xFFFFFF00] =	vst v2  }
0x61: {  	v62 =	vbroadcast v1, $0xD;
	v57 =	vor.u32 v0, v5;
	(v2sf) =	vpush v1, $0x3;
	[tilespmem:s14+$0xFFFFFF20] =	vst v3  }
0x62: {  	v4 =	vbroadcast v1, $0x2;
	v5 =	vor.u32 v0, v58;
	[tilespmem:s14+$0xFFFFFF60] =	vst v57;
	(v2sf) =	vpush v1, $0x4  }
0x63: {  	v59 =	vbroadcast v1, $0x7;
	v63 =	vor.u32 v0, v62;
	[tilespmem:s14+$0xFFFFFFA0] =	vst v5;
	(v2sf) =	vpush v1, $0x5  }
0x64: {  	v2 =	vor.u32 v0, v4;
	v3 =	vbroadcast v1, $0x4;
	[tilespmem:s14+$0xA0] =	vst v63;
	(v2sf) =	vpush v1, $0x6  }
0x65: {  	v4 =	vor.u32 v0, v59;
	[tilespmem:s14+$0xFFFFFF40] =	vst v2;
	v2 =	vbroadcast v1, $0x6;
	(v2sf) =	vpush v1, $0x7  }
0x66: {  	v60 =	vbroadcast v1, $0x9;
	[tilespmem:s14+$0xFFFFFFE0] =	vst v4;
	v3 =	vor.u32 v0, v3;
	(v2sf) =	vpush v1, $0x8  }
0x67: {  	[tilespmem:s14+$0xFFFFFF80] =	vst v3;
	v2 =	vor.u32 v0, v2;
	v3 =	vbroadcast v1, $0x8;
	(v2sf) =	vpush v1, $0x9  }
0x68: {  	v5 =	vor.u32 v0, v60;
	[tilespmem:s14+$0xFFFFFFC0] =	vst v2;
	v2 =	vbroadcast v1, $0xA;
	(v2sf) =	vpush v1, $0xA  }
0x69: {  	v61 =	vbroadcast v1, $0xB;
	[tilespmem:s14+$0x20] =	vst v5;
	v3 =	vor.u32 v0, v3;
	(v2sf) =	vpush v1, $0xB  }
0x6a: {  	[tilespmem:s14+$0x0] =	vst v3;
	v2 =	vor.u32 v0, v2;
	v3 =	vbroadcast v1, $0xC;
	(v2sf) =	vpush v1, $0xC  }
0x6b: {  	v4 =	vor.u32 v0, v61;
	[tilespmem:s14+$0x40] =	vst v2;
	v2 =	vbroadcast v1, $0xE;
	(v2sf) =	vpush v1, $0xD  }
0x6c: {  	[tilespmem:s14+$0x60] =	vst v4;
	v3 =	vor.u32 v0, v3;
	(v2sf) =	vpush v1, $0xE;
	s15 =	spop (v2sf)  }
0x6d: {  	[tilespmem:s14+$0x80] =	vst v3;
	v2 =	vor.u32 v0, v2;
	(v2sf) =	vpush v1, $0xF;
	v1 =	vbroadcast v1, $0xF;
	s15 =	sor.u32 $0x10, s15  }
0x6e: {  	[tilespmem:s14+$0xC0] =	vst v2;
	s31 =	spop (v2sf);
	v3 =	vor.u32 s15, v0  }
0x6f: {  	s17 =	sor.u32 $0x10, s31;
	s18 =	spop (v2sf);
	v1 =	vor.u32 v0, v1;
	[tilespmem:s14+$0xFFFFFF10] =	vst v3  }
0x70: {  	v2 =	vor.u32 s17, v0;
	s19 =	sor.u32 $0x10, s18;
	s20 =	spop (v2sf);
	[tilespmem:s14+$0xE0] =	vst v1  }
0x71: {  	[tilespmem:s14+$0xFFFFFF30] =	vst v2;
	v2 =	vor.u32 s19, v0;
	s21 =	sor.u32 $0x10, s20;
	s22 =	spop (v2sf)  }
0x72: {  	[tilespmem:s14+$0xFFFFFF50] =	vst v2;
	v2 =	vor.u32 s21, v0;
	s23 =	sor.u32 $0x10, s22;
	s24 =	spop (v2sf)  }
0x73: {  	[tilespmem:s14+$0xFFFFFF70] =	vst v2;
	v2 =	vor.u32 s23, v0;
	s25 =	sor.u32 $0x10, s24;
	s26 =	spop (v2sf)  }
0x74: {  	[tilespmem:s14+$0xFFFFFF90] =	vst v2;
	v2 =	vor.u32 s25, v0;
	s28 =	sor.u32 $0x10, s26;
	s29 =	spop (v2sf)  }
0x75: {  	[tilespmem:s14+$0xFFFFFFB0] =	vst v2;
	v2 =	vor.u32 s28, v0;
	s30 =	sor.u32 $0x10, s29;
	s31 =	spop (v2sf)  }
0x76: {  	[tilespmem:s14+$0xFFFFFFD0] =	vst v2;
	v2 =	vor.u32 s30, v0;
	s16 =	sor.u32 $0x10, s31;
	s17 =	spop (v2sf)  }
0x77: {  	[tilespmem:s14+$0xFFFFFFF0] =	vst v2;
	v2 =	vor.u32 s16, v0;
	s18 =	sor.u32 $0x10, s17;
	s19 =	spop (v2sf)  }
0x78: {  	[tilespmem:s14+$0x10] =	vst v2;
	v2 =	vor.u32 s18, v0;
	s20 =	sor.u32 $0x10, s19;
	s21 =	spop (v2sf)  }
0x79: {  	[tilespmem:s14+$0x30] =	vst v2;
	v2 =	vor.u32 s20, v0;
	s22 =	sor.u32 $0x10, s21;
	s23 =	spop (v2sf)  }
0x7a: {  	[tilespmem:s14+$0x50] =	vst v2;
	v2 =	vor.u32 s22, v0;
	s24 =	sor.u32 $0x10, s23;
	s25 =	spop (v2sf)  }
0x7b: {  	[tilespmem:s14+$0x70] =	vst v2;
	v2 =	vor.u32 s24, v0;
	s26 =	sor.u32 $0x10, s25;
	s28 =	spop (v2sf)  }
0x7c: {  	[tilespmem:s14+$0x90] =	vst v2;
	v2 =	vor.u32 s26, v0;
	s29 =	sor.u32 $0x10, s28;
	s30 =	spop (v2sf)  }
0x7d: {  	[tilespmem:s14+$0xB0] =	vst v2;
	v2 =	vor.u32 s29, v0;
	s31 =	sor.u32 $0x10, s30  }
0x7e: {  	[tilespmem:s14+$0xD0] =	vst v2;
	v2 =	vor.u32 s31, v0  }
0x7f: {  	[tilespmem:s14+$0xF0] =	vst v2  }
0x80: {  	[tilespmem:s10], [sflag:$0x2] =	stream.indirect.gather [hbm4b:s3+s8], $0x1, s9, s8, $0xb8;
	[tilespmem:$0x8200] =	vst v63  }
0x81: {  	s13 =	sadd.s32 $0x1, s13;
	_ =	swait.ge [sflag:s11], $0x4000  }
0x82: {  	p0 =	sne.s32 s13, s6;
	[sflag:s11] =	ssyncset.done $0x0  }
.Ltmp1:
0x83: {  	[sflag:s11] =	ssyncadd.s32 $0xFFFFC000;
	(pc) =	sbr.rel @p0 .LBB2_1-.Ltmp1, $4  }
0x84: {  	[hbm4b:s5+s2] =	stream.linear.scatter [tilespmem:s10], [sflag:$0x3], $0x4000, $0x38;
	[tilespmem:$0x8200] =	vst v63  }
0x85: {  	_ =	swait.ge [sflag:s12], $0x4000  }
0x86: {  	[sflag:s12] =	ssyncset.done $0x0  }
0x87: {  	[sflag:s12] =	ssyncadd.s32 $0xFFFFC000  }
0x88: {  	_ =	sfence.sel $0x180000  }
0x89: {  	[bflag:$0x0] =	sbarrier.arrive $0xFFFF  }
0x8a: {  	p0 =	sne.s32 s1, $0x0;
	_ =	strace $0x90000047  }
0x8b: {  	s0 =	sadd.s32 @!p0 $0x100000, s0;
	[bflag:$0x2] =	sbarrier.arrive $0xFFFF  }
0x8c: {  	[sflag:s0] =	ssyncadd.tile.s32 @!p0 $0x1;
	_ =	shalt  }
.Lfunc_end2:
_tile_overlayer_lowered:
.L_overlay_start_2:
0x8d: {  	(tag) =	ssettag $0x2  }
0x8e: {  	s0 =	rddreg [dreg:$0x0];
	s2 =	stileid.u32  }
0x8f: {  	s1 =	rddreg [dreg:$0x1];
	p0 =	sne.s32 s2, $0x0  }
0x90: {  	s3 =	rddreg [dreg:$0x2];
	[bflag:$0x3] =	sbarrier.arrive $0xFFFF;
	s2 =	simm.s32 @!p0 $0x1C03  }
0x91: {  	[timem:s3], [sflag:s2] =	dma.local @!p0 [hbm:s0], s1  }
0x92: {  	s0 =	simm.s32 @!p0 $0x3  }
0x93: {  	_ =	swait.ge @!p0 [sflag:s0], s1  }
0x94: {  	s1 =	ssub.s32 @!p0 $0x0, s1;
	[sflag:s0] =	ssyncset.done @!p0 $0x0  }
0x95: {  	[sflag:s0] =	ssyncadd.s32 @!p0 s1  }
0x96: {  	[bflag:$0x3] =	sbarrier.arrive $0xFFFF  }
0x97: {  	_ =	shalt  }

</sc_bundles>
